<compile_context>
chip_gen: v7x
topology: tpu7x:2x2x1
jax: 0.10.2.dev20260603
libtpu: 0.0.44.dev20260713+nightly
codegen_flags: <defaults>
</compile_context>

<pallas_src>
import functools

import jax
import jax.numpy as jnp
from jax import lax
from jax.experimental import pallas as pl
from jax.experimental.pallas import tpu as pltpu
from jax.experimental.pallas import tpu_sc as plsc

N_NODES = 10000
NPAD = 10240
D_IN = 128
NW = 32
K = 128
ROWS_PER_TILE = NPAD // 16

_f32 = jnp.float32


def _edge_layout(n_edges):
    etot = ((n_edges + N_NODES + NW * K - 1) // (NW * K)) * (NW * K)
    epw = etot // NW
    return etot, epw, epw // K



def _pre_body(x_ref, wall_ref, s_ref, d_ref):
    m = jnp.dot(x_ref[...], wall_ref[...], preferred_element_type=_f32)
    s_ref[...] = m[:, :128]
    d_ref[...] = m[:, 128:]


def _mid_body(a0_ref, a1_ref, b1_ref, w2e_ref, s2_ref, d2_ref):
    num = a0_ref[:, :64] + a1_ref[:, :64]
    den = a0_ref[:, 64:] + a1_ref[:, 64:]
    h = jnp.maximum(num / (den + 1e-16) + b1_ref[...], 0.0)
    m2 = jnp.dot(h, w2e_ref[...], preferred_element_type=_f32)
    col = lax.broadcasted_iota(jnp.int32, m2.shape, 1)
    m2 = m2 + (col == 1).astype(_f32)
    s2_ref[...] = m2[:, :32]
    d2_ref[...] = m2[:, 32:]


def _post_body(a0_ref, a1_ref, b2_ref, o_ref):
    num = a0_ref[:, 0:1] + a1_ref[:, 0:1]
    den = a0_ref[:, 1:2] + a1_ref[:, 1:2]
    o_ref[...] = num / (den + 1e-16) + b2_ref[...]



def _sc_edge_kernel(chunks, epw, s_cols, d_cols):
    lo = s_cols - d_cols

    mesh = plsc.VectorSubcoreMesh(core_axis_name="c", subcore_axis_name="s")

    @functools.partial(
        pl.kernel,
        out_type=jax.ShapeDtypeStruct((2 * NPAD, s_cols), _f32),
        mesh=mesh,
        compiler_params=pltpu.CompilerParams(use_tc_tiling_on_sc=False),
        scratch_types=[
            pltpu.VMEM((K,), jnp.int32),
            pltpu.VMEM((K,), jnp.int32),
            pltpu.VMEM((K, s_cols), _f32),
            pltpu.VMEM((K, d_cols), _f32),
            pltpu.VMEM((K, s_cols), _f32),
            pltpu.VMEM_SHARED((NPAD, s_cols), _f32),
            pltpu.SemaphoreType.DMA,
            pltpu.SemaphoreType.DMA,
        ],
    )
    def k(src_hbm, dst_hbm, s_hbm, d_hbm, z_hbm, out_hbm,
          sidx, didx, srow, drow, mrow, acc, sem1, sem2):
        cid = lax.axis_index("c")
        sid = lax.axis_index("s")
        wid = sid * 2 + cid

        pltpu.sync_copy(z_hbm.at[pl.ds(sid * ROWS_PER_TILE, ROWS_PER_TILE)],
                        acc.at[pl.ds(sid * ROWS_PER_TILE, ROWS_PER_TILE)])
        plsc.subcore_barrier()

        base = wid * epw

        def chunk_body(kk, _):
            off = base + kk * K
            pltpu.sync_copy(src_hbm.at[pl.ds(off, K)], sidx)
            pltpu.sync_copy(dst_hbm.at[pl.ds(off, K)], didx)
            cp1 = pltpu.async_copy(s_hbm.at[sidx], srow, sem1)
            cp2 = pltpu.async_copy(d_hbm.at[didx], drow, sem2)
            cp1.wait()
            cp2.wait()

            def edge_body(e, _):
                for j in range(d_cols // 16):
                    a = srow[e, pl.ds(lo + 16 * j, 16)] + drow[e, pl.ds(16 * j, 16)]
                    a = jnp.where(a > 0, a, 0.2 * a)
                    al = jnp.exp(a)
                    mrow[e, pl.ds(lo + 16 * j, 16)] = al
                    mrow[e, pl.ds(16 * j, 16)] = srow[e, pl.ds(16 * j, 16)] * al
                return 0

            lax.fori_loop(0, K, edge_body, 0)
            pltpu.sync_copy(mrow, acc.at[didx], add=True)
            return 0

        lax.fori_loop(0, chunks, chunk_body, 0)
        plsc.subcore_barrier()
        pltpu.sync_copy(
            acc.at[pl.ds(sid * ROWS_PER_TILE, ROWS_PER_TILE)],
            out_hbm.at[pl.ds(cid * NPAD + sid * ROWS_PER_TILE, ROWS_PER_TILE)])

    return k


def _sc2_edge_kernel(chunks, epw):
    mesh = plsc.VectorSubcoreMesh(core_axis_name="c", subcore_axis_name="s")

    @functools.partial(
        pl.kernel,
        out_type=jax.ShapeDtypeStruct((2 * NPAD, 16), _f32),
        mesh=mesh,
        compiler_params=pltpu.CompilerParams(use_tc_tiling_on_sc=False),
        scratch_types=[
            pltpu.VMEM((K,), jnp.int32),
            pltpu.VMEM((K,), jnp.int32),
            pltpu.VMEM((K, 32), _f32),
            pltpu.VMEM((K, 16), _f32),
            pltpu.VMEM((K, 16), _f32),
            pltpu.VMEM_SHARED((NPAD, 16), _f32),
            pltpu.SemaphoreType.DMA,
            pltpu.SemaphoreType.DMA,
        ],
    )
    def k(src_hbm, dst_hbm, s_hbm, d_hbm, z_hbm, out_hbm,
          sidx, didx, srow, drow, mrow, acc, sem1, sem2):
        cid = lax.axis_index("c")
        sid = lax.axis_index("s")
        wid = sid * 2 + cid

        pltpu.sync_copy(z_hbm.at[pl.ds(sid * ROWS_PER_TILE, ROWS_PER_TILE)],
                        acc.at[pl.ds(sid * ROWS_PER_TILE, ROWS_PER_TILE)])
        plsc.subcore_barrier()

        base = wid * epw

        def chunk_body(kk, _):
            off = base + kk * K
            pltpu.sync_copy(src_hbm.at[pl.ds(off, K)], sidx)
            pltpu.sync_copy(dst_hbm.at[pl.ds(off, K)], didx)
            cp1 = pltpu.async_copy(s_hbm.at[sidx], srow, sem1)
            cp2 = pltpu.async_copy(d_hbm.at[didx], drow, sem2)
            cp1.wait()
            cp2.wait()

            def edge_body(e, _):
                a = srow[e, pl.ds(16, 16)] + drow[e, pl.ds(0, 16)]
                a = jnp.where(a > 0, a, 0.2 * a)
                al = jnp.exp(a)
                mrow[e, pl.ds(0, 16)] = srow[e, pl.ds(0, 16)] * al
                return 0

            lax.fori_loop(0, K, edge_body, 0)
            pltpu.sync_copy(mrow, acc.at[didx], add=True)
            return 0

        lax.fori_loop(0, chunks, chunk_body, 0)
        plsc.subcore_barrier()
        pltpu.sync_copy(
            acc.at[pl.ds(sid * ROWS_PER_TILE, ROWS_PER_TILE)],
            out_hbm.at[pl.ds(cid * NPAD + sid * ROWS_PER_TILE, ROWS_PER_TILE)])

    return k



def kernel(x, edge_index, W1, att_src1, att_dst1, b1, W2, att_src2, att_dst2, b2):
    n_edges = edge_index.shape[1]
    etot, epw, chunks = _edge_layout(n_edges)

    loop = jnp.arange(N_NODES, dtype=jnp.int32)
    npad_e = etot - n_edges - N_NODES
    src = jnp.concatenate([edge_index[0], loop, jnp.zeros((npad_e,), jnp.int32)])
    dst = jnp.concatenate([edge_index[1], loop,
                           jnp.full((npad_e,), N_NODES, jnp.int32)])

    eye8 = jnp.eye(8, dtype=_f32)

    def dupmat(a):
        m = a[:, :, None, None] * eye8[:, None, :, None]
        return jnp.broadcast_to(m, (8, 8, 8, 8)).reshape(64, 64)

    Wall = jnp.concatenate(
        [W1, W1 @ dupmat(att_src1[0]), W1 @ dupmat(att_dst1[0])], axis=1)
    x_pad = jnp.concatenate([x, jnp.zeros((NPAD - N_NODES, D_IN), _f32)])

    BR = 1024
    grid = NPAD // BR
    S, D = pl.pallas_call(
        _pre_body,
        grid=(grid,),
        in_specs=[
            pl.BlockSpec((BR, 128), lambda i: (i, 0)),
            pl.BlockSpec((128, 192), lambda i: (0, 0)),
        ],
        out_specs=[
            pl.BlockSpec((BR, 128), lambda i: (i, 0)),
            pl.BlockSpec((BR, 64), lambda i: (i, 0)),
        ],
        out_shape=[
            jax.ShapeDtypeStruct((NPAD, 128), _f32),
            jax.ShapeDtypeStruct((NPAD, 64), _f32),
        ],
    )(x_pad, Wall)

    z1 = jnp.zeros((NPAD, 128), _f32)
    acc1 = _sc_edge_kernel(chunks, epw, 128, 64)(src, dst, S, D, z1)

    sc2 = att_src2[0, 0, 0]
    dc2 = att_dst2[0, 0, 0]
    W2e = jnp.concatenate(
        [W2, jnp.zeros((64, 15), _f32),
         jnp.tile(W2 * sc2, (1, 16)), jnp.tile(W2 * dc2, (1, 16))], axis=1)
    b1r = b1.reshape(1, 64)

    S2, D2 = pl.pallas_call(
        _mid_body,
        grid=(grid,),
        in_specs=[
            pl.BlockSpec((BR, 128), lambda i: (i, 0)),
            pl.BlockSpec((BR, 128), lambda i: (grid + i, 0)),
            pl.BlockSpec((1, 64), lambda i: (0, 0)),
            pl.BlockSpec((64, 48), lambda i: (0, 0)),
        ],
        out_specs=[
            pl.BlockSpec((BR, 32), lambda i: (i, 0)),
            pl.BlockSpec((BR, 16), lambda i: (i, 0)),
        ],
        out_shape=[
            jax.ShapeDtypeStruct((NPAD, 32), _f32),
            jax.ShapeDtypeStruct((NPAD, 16), _f32),
        ],
    )(acc1, acc1, b1r, W2e)

    z2 = jnp.zeros((NPAD, 16), _f32)
    acc2 = _sc2_edge_kernel(chunks, epw)(src, dst, S2, D2, z2)

    b2r = jnp.broadcast_to(b2.reshape(1, 1), (1, 16))
    out = pl.pallas_call(
        _post_body,
        grid=(grid,),
        in_specs=[
            pl.BlockSpec((BR, 16), lambda i: (i, 0)),
            pl.BlockSpec((BR, 16), lambda i: (grid + i, 0)),
            pl.BlockSpec((1, 16), lambda i: (0, 0)),
        ],
        out_specs=pl.BlockSpec((BR, 16), lambda i: (i, 0)),
        out_shape=jax.ShapeDtypeStruct((NPAD, 16), _f32),
    )(acc2, acc2, b2r)

    return out[:N_NODES, :1]

# --- scband reference (transcript-rebuilt; emitter-appended) ---
"""Pipeline reference for scband-gat-1211180778444 (READ-ONLY COPY).

The authoritative reference and input builder live on the scoring server;
editing this copy changes nothing except your own understanding.
"""

import jax, jax.numpy as jnp
import numpy as np

N_NODES = 10000
N_EDGES = 320000
D_FEAT = 128
STATE_DIM = 8
HEADS = 8
OUT_DIM = 1


def gat_conv(x, edge_index, W, att_src, att_dst, bias, heads, out_ch, num_nodes):
    # PyG GATConv semantics (eval mode, add_self_loops=True, concat=True)
    src = edge_index[0]
    dst = edge_index[1]
    loop = jnp.arange(num_nodes, dtype=src.dtype)
    src = jnp.concatenate([src, loop])
    dst = jnp.concatenate([dst, loop])

    xl = (x @ W).reshape(num_nodes, heads, out_ch)  # [N, H, C]
    a_src = (xl * att_src).sum(-1)  # [N, H]
    a_dst = (xl * att_dst).sum(-1)  # [N, H]

    alpha = a_src[src] + a_dst[dst]  # [E, H]
    alpha = jax.nn.leaky_relu(alpha, negative_slope=0.2)

    # segment softmax over destination nodes (numerically stable)
    amax = jax.ops.segment_max(alpha, dst, num_segments=num_nodes)
    amax = jnp.where(jnp.isfinite(amax), amax, 0.0)
    alpha = jnp.exp(alpha - amax[dst])
    denom = jax.ops.segment_sum(alpha, dst, num_segments=num_nodes)
    alpha = alpha / (denom[dst] + 1e-16)

    msgs = xl[src] * alpha[..., None]  # [E, H, C]
    out = jax.ops.segment_sum(msgs, dst, num_segments=num_nodes)  # [N, H, C]
    out = out.reshape(num_nodes, heads * out_ch) + bias
    return out


def setup_inputs(seed: int = 0) -> dict:
    key = jax.random.key(seed)
    ks = jax.random.split(key, 12)
    x = jax.random.normal(ks[0], (N_NODES, D_FEAT), dtype=jnp.float32)
    edge_index = jax.random.randint(ks[1], (2, N_EDGES), 0, N_NODES, dtype=jnp.int64 if jax.config.read('jax_enable_x64') else jnp.int32).astype(jnp.int32)
    # layer 1: in=128 -> heads=8, ch=8
    W1 = jax.random.normal(ks[2], (D_FEAT, HEADS * STATE_DIM), dtype=jnp.float32) * (1.0 / np.sqrt(D_FEAT))
    att_src1 = jax.random.normal(ks[3], (1, HEADS, STATE_DIM), dtype=jnp.float32) * 0.1
    att_dst1 = jax.random.normal(ks[4], (1, HEADS, STATE_DIM), dtype=jnp.float32) * 0.1
    b1 = jnp.zeros((HEADS * STATE_DIM,), dtype=jnp.float32)
    # layer 2: in=64 -> heads=1, ch=1
    W2 = jax.random.normal(ks[5], (HEADS * STATE_DIM, OUT_DIM), dtype=jnp.float32) * (1.0 / np.sqrt(HEADS * STATE_DIM))
    att_src2 = jax.random.normal(ks[6], (1, 1, OUT_DIM), dtype=jnp.float32) * 0.1
    att_dst2 = jax.random.normal(ks[7], (1, 1, OUT_DIM), dtype=jnp.float32) * 0.1
    b2 = jnp.zeros((OUT_DIM,), dtype=jnp.float32)
    return {"x": x, "edge_index": edge_index,
            "W1": W1, "att_src1": att_src1, "att_dst1": att_dst1, "b1": b1,
            "W2": W2, "att_src2": att_src2, "att_dst2": att_dst2, "b2": b2}


def reference(x, edge_index, W1, att_src1, att_dst1, b1, W2, att_src2, att_dst2, b2):
    # eval mode: dropout is identity
    h = gat_conv(x, edge_index, W1, att_src1, att_dst1, b1, HEADS, STATE_DIM, N_NODES)
    h = jax.nn.relu(h)
    out = gat_conv(h, edge_index, W2, att_src2, att_dst2, b2, 1, OUT_DIM, N_NODES)
    return out

if __name__ == "__main__":
    import jax
    _d = setup_inputs()
    print(jax.jit(kernel)(*tuple(_d.values())))

</pallas_src>

<mosaic_0001>
#map = affine_map<(d0, d1) -> (0)>
#map1 = affine_map<(d0, d1) -> (0, 0)>
module attributes {stable_mosaic.version = 14 : i64} {
  func.func @k(%arg0: i32, %arg1: i32, %arg2: memref<331776xi32, #tpu.memory_space<hbm>>, %arg3: memref<331776xi32, #tpu.memory_space<hbm>>, %arg4: memref<10240x128xf32, #tpu.memory_space<hbm>>, %arg5: memref<10240x64xf32, #tpu.memory_space<hbm>>, %arg6: memref<10240x128xf32, #tpu.memory_space<hbm>>, %arg7: memref<20480x128xf32, #tpu.memory_space<hbm>>, %arg8: memref<128xi32, #tpu.memory_space<vmem>>, %arg9: memref<128xi32, #tpu.memory_space<vmem>>, %arg10: memref<128x128xf32, #tpu.memory_space<vmem>>, %arg11: memref<128x64xf32, #tpu.memory_space<vmem>>, %arg12: memref<128x128xf32, #tpu.memory_space<vmem>>, %arg13: memref<10240x128xf32, #tpu.memory_space<vmem_shared>>, %arg14: memref<!tpu.dma_semaphore, #tpu.memory_space<semaphore_mem>>, %arg15: memref<!tpu.dma_semaphore, #tpu.memory_space<semaphore_mem>>) attributes {dimension_semantics = [#tpu.dimension_semantics<core_parallel>, #tpu.dimension_semantics<subcore_parallel>], iteration_bounds = array<i64: 2, 16>, scalar_prefetch = 0 : i64, scratch_operands = 8 : i64, tpu.core_type = #tpu.core_type<sc_vector_subcore>, window_params = [{transform_indices = #map}, {transform_indices = #map}, {transform_indices = #map1}, {transform_indices = #map1}, {transform_indices = #map1}, {transform_indices = #map1}]} {
    %mul3A = arith.constant 2 : i32
    %mul3A_0 = arith.muli %arg1, %mul3A : i32
    %add3A = arith.addi %mul3A_0, %arg0 : i32
    %mul3A_1 = arith.constant 640 : i32
    %mul3A_2 = arith.muli %arg1, %mul3A_1 : i32
    %mul3A_3 = arith.constant 640 : i32
    %mul3A_4 = arith.muli %arg1, %mul3A_3 : i32
    "tpu.region"() ({
      %run_scoped3A = tpu.sem_alloc : memref<!tpu.dma_semaphore, #tpu.memory_space<semaphore_mem>>
      %dma_start3A = arith.constant 0 : i32
      %dma_start3A_21 = tpu.memref_slice %arg13[%mul3A_4, %dma_start3A] : memref<10240x128xf32, #tpu.memory_space<vmem_shared>> -> memref<640x128xf32, #tpu.memory_space<vmem_shared>>
      %dma_start3A_22 = arith.constant 0 : i32
      %dma_start3A_23 = tpu.memref_slice %arg6[%mul3A_2, %dma_start3A_22] : memref<10240x128xf32, #tpu.memory_space<hbm>> -> memref<640x128xf32, #tpu.memory_space<hbm>>
      tpu.enqueue_dma source(%dma_start3A_23 : memref<640x128xf32, #tpu.memory_space<hbm>>) target(%dma_start3A_21 : memref<640x128xf32, #tpu.memory_space<vmem_shared>>) target_semaphore(%run_scoped3A : memref<!tpu.dma_semaphore, #tpu.memory_space<semaphore_mem>>)
      %dma_wait3A = arith.constant 0 : i32
      %dma_wait3A_24 = tpu.memref_slice %arg13[%mul3A_4, %dma_wait3A] : memref<10240x128xf32, #tpu.memory_space<vmem_shared>> -> memref<640x128xf32, #tpu.memory_space<vmem_shared>>
      %dma_wait3A_25 = arith.constant 0 : i32
      %dma_wait3A_26 = tpu.memref_slice %arg6[%mul3A_2, %dma_wait3A_25] : memref<10240x128xf32, #tpu.memory_space<hbm>> -> memref<640x128xf32, #tpu.memory_space<hbm>>
      tpu.wait_dma2 semaphore(%run_scoped3A : memref<!tpu.dma_semaphore, #tpu.memory_space<semaphore_mem>>) src(%dma_wait3A_26 : memref<640x128xf32, #tpu.memory_space<hbm>>) dst(%dma_wait3A_24 : memref<640x128xf32, #tpu.memory_space<vmem_shared>>)
      tpu.yield
    }) : () -> ()
    %barrier3A = arith.constant 0 : index
    tpu.barrier barrier_id(%barrier3A)
    %mul3A_5 = arith.constant 10368 : i32
    %mul3A_6 = arith.muli %add3A, %mul3A_5 : i32
    %scan3A = arith.constant 0 : i32
    %scan3A_7 = arith.constant 0 : i32
    %scan3A_8 = arith.constant 81 : i32
    %scan3A_9 = arith.addi %scan3A_7, %scan3A_8 : i32
    %scan3A_10 = arith.constant 1 : i32
    %scan3A_11 = scf.for %scan3A_21 = %scan3A_7 to %scan3A_9 step %scan3A_10 iter_args(%scan3A_22 = %scan3A) -> (i32)  : i32 {
      %mul3A_23 = arith.constant 128 : i32
      %mul3A_24 = arith.muli %scan3A_21, %mul3A_23 : i32
      %add3A_25 = arith.addi %mul3A_6, %mul3A_24 : i32
      "tpu.region"() ({
        %run_scoped3A = tpu.sem_alloc : memref<!tpu.dma_semaphore, #tpu.memory_space<semaphore_mem>>
        %dma_start3A_44 = tpu.memref_slice %arg2[%add3A_25] : memref<331776xi32, #tpu.memory_space<hbm>> -> memref<128xi32, #tpu.memory_space<hbm>>
        %dma_start3A_45 = tpu.memref_slice %arg2[%add3A_25] : memref<331776xi32, #tpu.memory_space<hbm>> -> memref<128xi32, #tpu.memory_space<hbm>>
        tpu.enqueue_dma source(%dma_start3A_45 : memref<128xi32, #tpu.memory_space<hbm>>) target(%arg8 : memref<128xi32, #tpu.memory_space<vmem>>) target_semaphore(%run_scoped3A : memref<!tpu.dma_semaphore, #tpu.memory_space<semaphore_mem>>)
        %dma_wait3A_46 = tpu.memref_slice %arg2[%add3A_25] : memref<331776xi32, #tpu.memory_space<hbm>> -> memref<128xi32, #tpu.memory_space<hbm>>
        %dma_wait3A_47 = tpu.memref_slice %arg2[%add3A_25] : memref<331776xi32, #tpu.memory_space<hbm>> -> memref<128xi32, #tpu.memory_space<hbm>>
        tpu.wait_dma2 semaphore(%run_scoped3A : memref<!tpu.dma_semaphore, #tpu.memory_space<semaphore_mem>>) src(%dma_wait3A_47 : memref<128xi32, #tpu.memory_space<hbm>>) dst(%arg8 : memref<128xi32, #tpu.memory_space<vmem>>)
        tpu.yield
      }) : () -> ()
      "tpu.region"() ({
        %run_scoped3A = tpu.sem_alloc : memref<!tpu.dma_semaphore, #tpu.memory_space<semaphore_mem>>
        %dma_start3A_44 = tpu.memref_slice %arg3[%add3A_25] : memref<331776xi32, #tpu.memory_space<hbm>> -> memref<128xi32, #tpu.memory_space<hbm>>
        %dma_start3A_45 = tpu.memref_slice %arg3[%add3A_25] : memref<331776xi32, #tpu.memory_space<hbm>> -> memref<128xi32, #tpu.memory_space<hbm>>
        tpu.enqueue_dma source(%dma_start3A_45 : memref<128xi32, #tpu.memory_space<hbm>>) target(%arg9 : memref<128xi32, #tpu.memory_space<vmem>>) target_semaphore(%run_scoped3A : memref<!tpu.dma_semaphore, #tpu.memory_space<semaphore_mem>>)
        %dma_wait3A_46 = tpu.memref_slice %arg3[%add3A_25] : memref<331776xi32, #tpu.memory_space<hbm>> -> memref<128xi32, #tpu.memory_space<hbm>>
        %dma_wait3A_47 = tpu.memref_slice %arg3[%add3A_25] : memref<331776xi32, #tpu.memory_space<hbm>> -> memref<128xi32, #tpu.memory_space<hbm>>
        tpu.wait_dma2 semaphore(%run_scoped3A : memref<!tpu.dma_semaphore, #tpu.memory_space<semaphore_mem>>) src(%dma_wait3A_47 : memref<128xi32, #tpu.memory_space<hbm>>) dst(%arg9 : memref<128xi32, #tpu.memory_space<vmem>>)
        tpu.yield
      }) : () -> ()
      %dma_start3A = arith.constant 0 : i32
      %dma_start3A_26 = arith.constant 0 : i32
      %dma_start3A_27 = tpu.memref_slice %arg4[%dma_start3A, %dma_start3A_26] : memref<10240x128xf32, #tpu.memory_space<hbm>> -> memref<10240x128xf32, #tpu.memory_space<hbm>>
      tpu.enqueue_indirect_dma source(%dma_start3A_27 : memref<10240x128xf32, #tpu.memory_space<hbm>>) target(%arg10 : memref<128x128xf32, #tpu.memory_space<vmem>>) offsets(%arg8 : memref<128xi32, #tpu.memory_space<vmem>>) semaphore(%arg14 : memref<!tpu.dma_semaphore, #tpu.memory_space<semaphore_mem>>)
      %dma_start3A_28 = arith.constant 0 : i32
      %dma_start3A_29 = arith.constant 0 : i32
      %dma_start3A_30 = tpu.memref_slice %arg5[%dma_start3A_28, %dma_start3A_29] : memref<10240x64xf32, #tpu.memory_space<hbm>> -> memref<10240x64xf32, #tpu.memory_space<hbm>>
      tpu.enqueue_indirect_dma source(%dma_start3A_30 : memref<10240x64xf32, #tpu.memory_space<hbm>>) target(%arg11 : memref<128x64xf32, #tpu.memory_space<vmem>>) offsets(%arg9 : memref<128xi32, #tpu.memory_space<vmem>>) semaphore(%arg15 : memref<!tpu.dma_semaphore, #tpu.memory_space<semaphore_mem>>)
      %dma_wait3A = arith.constant 0 : i32
      %dma_wait3A_31 = arith.constant 0 : i32
      %dma_wait3A_32 = tpu.memref_slice %arg4[%dma_wait3A, %dma_wait3A_31] : memref<10240x128xf32, #tpu.memory_space<hbm>> -> memref<10240x128xf32, #tpu.memory_space<hbm>>
      tpu.wait_indirect_dma semaphore(%arg14 : memref<!tpu.dma_semaphore, #tpu.memory_space<semaphore_mem>>) src(%dma_wait3A_32 : memref<10240x128xf32, #tpu.memory_space<hbm>>) dst(%arg10 : memref<128x128xf32, #tpu.memory_space<vmem>>)
      %dma_wait3A_33 = arith.constant 0 : i32
      %dma_wait3A_34 = arith.constant 0 : i32
      %dma_wait3A_35 = tpu.memref_slice %arg5[%dma_wait3A_33, %dma_wait3A_34] : memref<10240x64xf32, #tpu.memory_space<hbm>> -> memref<10240x64xf32, #tpu.memory_space<hbm>>
      tpu.wait_indirect_dma semaphore(%arg15 : memref<!tpu.dma_semaphore, #tpu.memory_space<semaphore_mem>>) src(%dma_wait3A_35 : memref<10240x64xf32, #tpu.memory_space<hbm>>) dst(%arg11 : memref<128x64xf32, #tpu.memory_space<vmem>>)
      %scan3A_36 = arith.constant 0 : i32
      %scan3A_37 = arith.constant 0 : i32
      %scan3A_38 = arith.constant 128 : i32
      %scan3A_39 = arith.addi %scan3A_37, %scan3A_38 : i32
      %scan3A_40 = arith.constant 1 : i32
      %scan3A_41 = scf.for %scan3A_44 = %scan3A_37 to %scan3A_39 step %scan3A_40 iter_args(%scan3A_45 = %scan3A_36) -> (i32)  : i32 {
        %get3A = arith.index_cast %scan3A_44 : i32 to index
        %get3A_46 = arith.constant 64 : index
        %get3A_47 = tpu.vector_load %arg10[%get3A, %get3A_46] {strides = array<i32>} : memref<128x128xf32, #tpu.memory_space<vmem>>, vector<1x16xf32>,
        %get3A_48 = vector.shape_cast %get3A_47 : vector<1x16xf32> to vector<16xf32>
        %get3A_49 = arith.index_cast %scan3A_44 : i32 to index
        %get3A_50 = arith.constant 0 : index
        %get3A_51 = tpu.vector_load %arg11[%get3A_49, %get3A_50] {strides = array<i32>} : memref<128x64xf32, #tpu.memory_space<vmem>>, vector<1x16xf32>,
        %get3A_52 = vector.shape_cast %get3A_51 : vector<1x16xf32> to vector<16xf32>
        %add3A_53 = arith.addf %get3A_48, %get3A_52 : vector<16xf32>
        %gt3A = arith.constant 0.000000e+00 : f32
        %gt3A_54 = vector.broadcast %gt3A : f32 to vector<16xf32>
        %gt3A_55 = arith.cmpf ogt, %add3A_53, %gt3A_54 : vector<16xf32>
        %mul3A_56 = arith.constant 2.000000e-01 : f32
        %mul3A_57 = vector.broadcast %mul3A_56 : f32 to vector<16xf32>
        %mul3A_58 = arith.mulf %mul3A_57, %add3A_53 : vector<16xf32>
        %select_n3A = arith.select %gt3A_55, %add3A_53, %mul3A_58 : vector<16xi1>, vector<16xf32>
        %exp3A = math.exp %select_n3A : vector<16xf32>
        %swap3A = arith.index_cast %scan3A_44 : i32 to index
        %swap3A_59 = arith.constant 64 : index
        %swap3A_60 = tpu.vector_load %arg12[%swap3A, %swap3A_59] {strides = array<i32>} : memref<128x128xf32, #tpu.memory_space<vmem>>, vector<1x16xf32>,
        %swap3A_61 = vector.shape_cast %swap3A_60 : vector<1x16xf32> to vector<16xf32>
        %swap3A_62 = vector.shape_cast %exp3A : vector<16xf32> to vector<1x16xf32>
        tpu.vector_store %arg12[%swap3A, %swap3A_59], %swap3A_62 {strides = array<i32>} : memref<128x128xf32, #tpu.memory_space<vmem>>, vector<1x16xf32>,
        %get3A_63 = arith.index_cast %scan3A_44 : i32 to index
        %get3A_64 = arith.constant 0 : index
        %get3A_65 = tpu.vector_load %arg10[%get3A_63, %get3A_64] {strides = array<i32>} : memref<128x128xf32, #tpu.memory_space<vmem>>, vector<1x16xf32>,
        %get3A_66 = vector.shape_cast %get3A_65 : vector<1x16xf32> to vector<16xf32>
        %mul3A_67 = arith.mulf %get3A_66, %exp3A : vector<16xf32>
        %swap3A_68 = arith.index_cast %scan3A_44 : i32 to index
        %swap3A_69 = arith.constant 0 : index
        %swap3A_70 = tpu.vector_load %arg12[%swap3A_68, %swap3A_69] {strides = array<i32>} : memref<128x128xf32, #tpu.memory_space<vmem>>, vector<1x16xf32>,
        %swap3A_71 = vector.shape_cast %swap3A_70 : vector<1x16xf32> to vector<16xf32>
        %swap3A_72 = vector.shape_cast %mul3A_67 : vector<16xf32> to vector<1x16xf32>
        tpu.vector_store %arg12[%swap3A_68, %swap3A_69], %swap3A_72 {strides = array<i32>} : memref<128x128xf32, #tpu.memory_space<vmem>>, vector<1x16xf32>,
        %get3A_73 = arith.index_cast %scan3A_44 : i32 to index
        %get3A_74 = arith.constant 80 : index
        %get3A_75 = tpu.vector_load %arg10[%get3A_73, %get3A_74] {strides = array<i32>} : memref<128x128xf32, #tpu.memory_space<vmem>>, vector<1x16xf32>,
        %get3A_76 = vector.shape_cast %get3A_75 : vector<1x16xf32> to vector<16xf32>
        %get3A_77 = arith.index_cast %scan3A_44 : i32 to index
        %get3A_78 = arith.constant 16 : index
        %get3A_79 = tpu.vector_load %arg11[%get3A_77, %get3A_78] {strides = array<i32>} : memref<128x64xf32, #tpu.memory_space<vmem>>, vector<1x16xf32>,
        %get3A_80 = vector.shape_cast %get3A_79 : vector<1x16xf32> to vector<16xf32>
        %add3A_81 = arith.addf %get3A_76, %get3A_80 : vector<16xf32>
        %gt3A_82 = arith.constant 0.000000e+00 : f32
        %gt3A_83 = vector.broadcast %gt3A_82 : f32 to vector<16xf32>
        %gt3A_84 = arith.cmpf ogt, %add3A_81, %gt3A_83 : vector<16xf32>
        %mul3A_85 = arith.constant 2.000000e-01 : f32
        %mul3A_86 = vector.broadcast %mul3A_85 : f32 to vector<16xf32>
        %mul3A_87 = arith.mulf %mul3A_86, %add3A_81 : vector<16xf32>
        %select_n3A_88 = arith.select %gt3A_84, %add3A_81, %mul3A_87 : vector<16xi1>, vector<16xf32>
        %exp3A_89 = math.exp %select_n3A_88 : vector<16xf32>
        %swap3A_90 = arith.index_cast %scan3A_44 : i32 to index
        %swap3A_91 = arith.constant 80 : index
        %swap3A_92 = tpu.vector_load %arg12[%swap3A_90, %swap3A_91] {strides = array<i32>} : memref<128x128xf32, #tpu.memory_space<vmem>>, vector<1x16xf32>,
        %swap3A_93 = vector.shape_cast %swap3A_92 : vector<1x16xf32> to vector<16xf32>
        %swap3A_94 = vector.shape_cast %exp3A_89 : vector<16xf32> to vector<1x16xf32>
        tpu.vector_store %arg12[%swap3A_90, %swap3A_91], %swap3A_94 {strides = array<i32>} : memref<128x128xf32, #tpu.memory_space<vmem>>, vector<1x16xf32>,
        %get3A_95 = arith.index_cast %scan3A_44 : i32 to index
        %get3A_96 = arith.constant 16 : index
        %get3A_97 = tpu.vector_load %arg10[%get3A_95, %get3A_96] {strides = array<i32>} : memref<128x128xf32, #tpu.memory_space<vmem>>, vector<1x16xf32>,
        %get3A_98 = vector.shape_cast %get3A_97 : vector<1x16xf32> to vector<16xf32>
        %mul3A_99 = arith.mulf %get3A_98, %exp3A_89 : vector<16xf32>
        %swap3A_100 = arith.index_cast %scan3A_44 : i32 to index
        %swap3A_101 = arith.constant 16 : index
        %swap3A_102 = tpu.vector_load %arg12[%swap3A_100, %swap3A_101] {strides = array<i32>} : memref<128x128xf32, #tpu.memory_space<vmem>>, vector<1x16xf32>,
        %swap3A_103 = vector.shape_cast %swap3A_102 : vector<1x16xf32> to vector<16xf32>
        %swap3A_104 = vector.shape_cast %mul3A_99 : vector<16xf32> to vector<1x16xf32>
        tpu.vector_store %arg12[%swap3A_100, %swap3A_101], %swap3A_104 {strides = array<i32>} : memref<128x128xf32, #tpu.memory_space<vmem>>, vector<1x16xf32>,
        %get3A_105 = arith.index_cast %scan3A_44 : i32 to index
        %get3A_106 = arith.constant 96 : index
        %get3A_107 = tpu.vector_load %arg10[%get3A_105, %get3A_106] {strides = array<i32>} : memref<128x128xf32, #tpu.memory_space<vmem>>, vector<1x16xf32>,
        %get3A_108 = vector.shape_cast %get3A_107 : vector<1x16xf32> to vector<16xf32>
        %get3A_109 = arith.index_cast %scan3A_44 : i32 to index
        %get3A_110 = arith.constant 32 : index
        %get3A_111 = tpu.vector_load %arg11[%get3A_109, %get3A_110] {strides = array<i32>} : memref<128x64xf32, #tpu.memory_space<vmem>>, vector<1x16xf32>,
        %get3A_112 = vector.shape_cast %get3A_111 : vector<1x16xf32> to vector<16xf32>
        %add3A_113 = arith.addf %get3A_108, %get3A_112 : vector<16xf32>
        %gt3A_114 = arith.constant 0.000000e+00 : f32
        %gt3A_115 = vector.broadcast %gt3A_114 : f32 to vector<16xf32>
        %gt3A_116 = arith.cmpf ogt, %add3A_113, %gt3A_115 : vector<16xf32>
        %mul3A_117 = arith.constant 2.000000e-01 : f32
        %mul3A_118 = vector.broadcast %mul3A_117 : f32 to vector<16xf32>
        %mul3A_119 = arith.mulf %mul3A_118, %add3A_113 : vector<16xf32>
        %select_n3A_120 = arith.select %gt3A_116, %add3A_113, %mul3A_119 : vector<16xi1>, vector<16xf32>
        %exp3A_121 = math.exp %select_n3A_120 : vector<16xf32>
        %swap3A_122 = arith.index_cast %scan3A_44 : i32 to index
        %swap3A_123 = arith.constant 96 : index
        %swap3A_124 = tpu.vector_load %arg12[%swap3A_122, %swap3A_123] {strides = array<i32>} : memref<128x128xf32, #tpu.memory_space<vmem>>, vector<1x16xf32>,
        %swap3A_125 = vector.shape_cast %swap3A_124 : vector<1x16xf32> to vector<16xf32>
        %swap3A_126 = vector.shape_cast %exp3A_121 : vector<16xf32> to vector<1x16xf32>
        tpu.vector_store %arg12[%swap3A_122, %swap3A_123], %swap3A_126 {strides = array<i32>} : memref<128x128xf32, #tpu.memory_space<vmem>>, vector<1x16xf32>,
        %get3A_127 = arith.index_cast %scan3A_44 : i32 to index
        %get3A_128 = arith.constant 32 : index
        %get3A_129 = tpu.vector_load %arg10[%get3A_127, %get3A_128] {strides = array<i32>} : memref<128x128xf32, #tpu.memory_space<vmem>>, vector<1x16xf32>,
        %get3A_130 = vector.shape_cast %get3A_129 : vector<1x16xf32> to vector<16xf32>
        %mul3A_131 = arith.mulf %get3A_130, %exp3A_121 : vector<16xf32>
        %swap3A_132 = arith.index_cast %scan3A_44 : i32 to index
        %swap3A_133 = arith.constant 32 : index
        %swap3A_134 = tpu.vector_load %arg12[%swap3A_132, %swap3A_133] {strides = array<i32>} : memref<128x128xf32, #tpu.memory_space<vmem>>, vector<1x16xf32>,
        %swap3A_135 = vector.shape_cast %swap3A_134 : vector<1x16xf32> to vector<16xf32>
        %swap3A_136 = vector.shape_cast %mul3A_131 : vector<16xf32> to vector<1x16xf32>
        tpu.vector_store %arg12[%swap3A_132, %swap3A_133], %swap3A_136 {strides = array<i32>} : memref<128x128xf32, #tpu.memory_space<vmem>>, vector<1x16xf32>,
        %get3A_137 = arith.index_cast %scan3A_44 : i32 to index
        %get3A_138 = arith.constant 112 : index
        %get3A_139 = tpu.vector_load %arg10[%get3A_137, %get3A_138] {strides = array<i32>} : memref<128x128xf32, #tpu.memory_space<vmem>>, vector<1x16xf32>,
        %get3A_140 = vector.shape_cast %get3A_139 : vector<1x16xf32> to vector<16xf32>
        %get3A_141 = arith.index_cast %scan3A_44 : i32 to index
        %get3A_142 = arith.constant 48 : index
        %get3A_143 = tpu.vector_load %arg11[%get3A_141, %get3A_142] {strides = array<i32>} : memref<128x64xf32, #tpu.memory_space<vmem>>, vector<1x16xf32>,
        %get3A_144 = vector.shape_cast %get3A_143 : vector<1x16xf32> to vector<16xf32>
        %add3A_145 = arith.addf %get3A_140, %get3A_144 : vector<16xf32>
        %gt3A_146 = arith.constant 0.000000e+00 : f32
        %gt3A_147 = vector.broadcast %gt3A_146 : f32 to vector<16xf32>
        %gt3A_148 = arith.cmpf ogt, %add3A_145, %gt3A_147 : vector<16xf32>
        %mul3A_149 = arith.constant 2.000000e-01 : f32
        %mul3A_150 = vector.broadcast %mul3A_149 : f32 to vector<16xf32>
        %mul3A_151 = arith.mulf %mul3A_150, %add3A_145 : vector<16xf32>
        %select_n3A_152 = arith.select %gt3A_148, %add3A_145, %mul3A_151 : vector<16xi1>, vector<16xf32>
        %exp3A_153 = math.exp %select_n3A_152 : vector<16xf32>
        %swap3A_154 = arith.index_cast %scan3A_44 : i32 to index
        %swap3A_155 = arith.constant 112 : index
        %swap3A_156 = tpu.vector_load %arg12[%swap3A_154, %swap3A_155] {strides = array<i32>} : memref<128x128xf32, #tpu.memory_space<vmem>>, vector<1x16xf32>,
        %swap3A_157 = vector.shape_cast %swap3A_156 : vector<1x16xf32> to vector<16xf32>
        %swap3A_158 = vector.shape_cast %exp3A_153 : vector<16xf32> to vector<1x16xf32>
        tpu.vector_store %arg12[%swap3A_154, %swap3A_155], %swap3A_158 {strides = array<i32>} : memref<128x128xf32, #tpu.memory_space<vmem>>, vector<1x16xf32>,
        %get3A_159 = arith.index_cast %scan3A_44 : i32 to index
        %get3A_160 = arith.constant 48 : index
        %get3A_161 = tpu.vector_load %arg10[%get3A_159, %get3A_160] {strides = array<i32>} : memref<128x128xf32, #tpu.memory_space<vmem>>, vector<1x16xf32>,
        %get3A_162 = vector.shape_cast %get3A_161 : vector<1x16xf32> to vector<16xf32>
        %mul3A_163 = arith.mulf %get3A_162, %exp3A_153 : vector<16xf32>
        %swap3A_164 = arith.index_cast %scan3A_44 : i32 to index
        %swap3A_165 = arith.constant 48 : index
        %swap3A_166 = tpu.vector_load %arg12[%swap3A_164, %swap3A_165] {strides = array<i32>} : memref<128x128xf32, #tpu.memory_space<vmem>>, vector<1x16xf32>,
        %swap3A_167 = vector.shape_cast %swap3A_166 : vector<1x16xf32> to vector<16xf32>
        %swap3A_168 = vector.shape_cast %mul3A_163 : vector<16xf32> to vector<1x16xf32>
        tpu.vector_store %arg12[%swap3A_164, %swap3A_165], %swap3A_168 {strides = array<i32>} : memref<128x128xf32, #tpu.memory_space<vmem>>, vector<1x16xf32>,
        %scan3A_169 = arith.constant 0 : i32
        scf.yield %scan3A_169 : i32
      }
      %scan3A_42 = arith.constant 128 : i32
      "tpu.region"() ({
        %run_scoped3A = tpu.sem_alloc : memref<!tpu.dma_semaphore, #tpu.memory_space<semaphore_mem>>
        %dma_start3A_44 = arith.constant 0 : i32
        %dma_start3A_45 = arith.constant 0 : i32
        %dma_start3A_46 = tpu.memref_slice %arg13[%dma_start3A_44, %dma_start3A_45] : memref<10240x128xf32, #tpu.memory_space<vmem_shared>> -> memref<10240x128xf32, #tpu.memory_space<vmem_shared>>
        tpu.enqueue_indirect_dma source(%arg12 : memref<128x128xf32, #tpu.memory_space<vmem>>) target(%dma_start3A_46 : memref<10240x128xf32, #tpu.memory_space<vmem_shared>>) offsets(%arg9 : memref<128xi32, #tpu.memory_space<vmem>>) semaphore(%run_scoped3A : memref<!tpu.dma_semaphore, #tpu.memory_space<semaphore_mem>>) {add = true}
        %dma_wait3A_47 = arith.constant 0 : i32
        %dma_wait3A_48 = arith.constant 0 : i32
        %dma_wait3A_49 = tpu.memref_slice %arg13[%dma_wait3A_47, %dma_wait3A_48] : memref<10240x128xf32, #tpu.memory_space<vmem_shared>> -> memref<10240x128xf32, #tpu.memory_space<vmem_shared>>
        tpu.wait_indirect_dma semaphore(%run_scoped3A : memref<!tpu.dma_semaphore, #tpu.memory_space<semaphore_mem>>) src(%arg12 : memref<128x128xf32, #tpu.memory_space<vmem>>) dst(%dma_wait3A_49 : memref<10240x128xf32, #tpu.memory_space<vmem_shared>>)
        tpu.yield
      }) : () -> ()
      %scan3A_43 = arith.constant 0 : i32
      scf.yield %scan3A_43 : i32
    }
    %scan3A_12 = arith.constant 81 : i32
    %barrier3A_13 = arith.constant 0 : index
    tpu.barrier barrier_id(%barrier3A_13)
    %mul3A_14 = arith.constant 640 : i32
    %mul3A_15 = arith.muli %arg1, %mul3A_14 : i32
    %mul3A_16 = arith.constant 10240 : i32
    %mul3A_17 = arith.muli %arg0, %mul3A_16 : i32
    %mul3A_18 = arith.constant 640 : i32
    %mul3A_19 = arith.muli %arg1, %mul3A_18 : i32
    %add3A_20 = arith.addi %mul3A_17, %mul3A_19 : i32
    "tpu.region"() ({
      %run_scoped3A = tpu.sem_alloc : memref<!tpu.dma_semaphore, #tpu.memory_space<semaphore_mem>>
      %dma_start3A = arith.constant 0 : i32
      %dma_start3A_21 = tpu.memref_slice %arg7[%add3A_20, %dma_start3A] : memref<20480x128xf32, #tpu.memory_space<hbm>> -> memref<640x128xf32, #tpu.memory_space<hbm>>
      %dma_start3A_22 = arith.constant 0 : i32
      %dma_start3A_23 = tpu.memref_slice %arg13[%mul3A_15, %dma_start3A_22] : memref<10240x128xf32, #tpu.memory_space<vmem_shared>> -> memref<640x128xf32, #tpu.memory_space<vmem_shared>>
      tpu.enqueue_dma source(%dma_start3A_23 : memref<640x128xf32, #tpu.memory_space<vmem_shared>>) target(%dma_start3A_21 : memref<640x128xf32, #tpu.memory_space<hbm>>) target_semaphore(%run_scoped3A : memref<!tpu.dma_semaphore, #tpu.memory_space<semaphore_mem>>)
      %dma_wait3A = arith.constant 0 : i32
      %dma_wait3A_24 = tpu.memref_slice %arg7[%add3A_20, %dma_wait3A] : memref<20480x128xf32, #tpu.memory_space<hbm>> -> memref<640x128xf32, #tpu.memory_space<hbm>>
      %dma_wait3A_25 = arith.constant 0 : i32
      %dma_wait3A_26 = tpu.memref_slice %arg13[%mul3A_15, %dma_wait3A_25] : memref<10240x128xf32, #tpu.memory_space<vmem_shared>> -> memref<640x128xf32, #tpu.memory_space<vmem_shared>>
      tpu.wait_dma2 semaphore(%run_scoped3A : memref<!tpu.dma_semaphore, #tpu.memory_space<semaphore_mem>>) src(%dma_wait3A_26 : memref<640x128xf32, #tpu.memory_space<vmem_shared>>) dst(%dma_wait3A_24 : memref<640x128xf32, #tpu.memory_space<hbm>>)
      tpu.yield
    }) : () -> ()
    return
  }
}

#map = affine_map<(d0, d1) -> (0)>
#map1 = affine_map<(d0, d1) -> (0, 0)>
module attributes {stable_mosaic.version = 14 : i64} {
  func.func @k(%arg0: i32, %arg1: i32, %arg2: memref<331776xi32, #tpu.memory_space<hbm>>, %arg3: memref<331776xi32, #tpu.memory_space<hbm>>, %arg4: memref<10240x32xf32, #tpu.memory_space<hbm>>, %arg5: memref<10240x16xf32, #tpu.memory_space<hbm>>, %arg6: memref<10240x16xf32, #tpu.memory_space<hbm>>, %arg7: memref<20480x16xf32, #tpu.memory_space<hbm>>, %arg8: memref<128xi32, #tpu.memory_space<vmem>>, %arg9: memref<128xi32, #tpu.memory_space<vmem>>, %arg10: memref<128x32xf32, #tpu.memory_space<vmem>>, %arg11: memref<128x16xf32, #tpu.memory_space<vmem>>, %arg12: memref<128x16xf32, #tpu.memory_space<vmem>>, %arg13: memref<10240x16xf32, #tpu.memory_space<vmem_shared>>, %arg14: memref<!tpu.dma_semaphore, #tpu.memory_space<semaphore_mem>>, %arg15: memref<!tpu.dma_semaphore, #tpu.memory_space<semaphore_mem>>) attributes {dimension_semantics = [#tpu.dimension_semantics<core_parallel>, #tpu.dimension_semantics<subcore_parallel>], iteration_bounds = array<i64: 2, 16>, scalar_prefetch = 0 : i64, scratch_operands = 8 : i64, tpu.core_type = #tpu.core_type<sc_vector_subcore>, window_params = [{transform_indices = #map}, {transform_indices = #map}, {transform_indices = #map1}, {transform_indices = #map1}, {transform_indices = #map1}, {transform_indices = #map1}]} {
    %mul3A = arith.constant 2 : i32
    %mul3A_0 = arith.muli %arg1, %mul3A : i32
    %add3A = arith.addi %mul3A_0, %arg0 : i32
    %mul3A_1 = arith.constant 640 : i32
    %mul3A_2 = arith.muli %arg1, %mul3A_1 : i32
    %mul3A_3 = arith.constant 640 : i32
    %mul3A_4 = arith.muli %arg1, %mul3A_3 : i32
    "tpu.region"() ({
      %run_scoped3A = tpu.sem_alloc : memref<!tpu.dma_semaphore, #tpu.memory_space<semaphore_mem>>
      %dma_start3A = arith.constant 0 : i32
      %dma_start3A_21 = tpu.memref_slice %arg13[%mul3A_4, %dma_start3A] : memref<10240x16xf32, #tpu.memory_space<vmem_shared>> -> memref<640x16xf32, #tpu.memory_space<vmem_shared>>
      %dma_start3A_22 = arith.constant 0 : i32
      %dma_start3A_23 = tpu.memref_slice %arg6[%mul3A_2, %dma_start3A_22] : memref<10240x16xf32, #tpu.memory_space<hbm>> -> memref<640x16xf32, #tpu.memory_space<hbm>>
      tpu.enqueue_dma source(%dma_start3A_23 : memref<640x16xf32, #tpu.memory_space<hbm>>) target(%dma_start3A_21 : memref<640x16xf32, #tpu.memory_space<vmem_shared>>) target_semaphore(%run_scoped3A : memref<!tpu.dma_semaphore, #tpu.memory_space<semaphore_mem>>)
      %dma_wait3A = arith.constant 0 : i32
      %dma_wait3A_24 = tpu.memref_slice %arg13[%mul3A_4, %dma_wait3A] : memref<10240x16xf32, #tpu.memory_space<vmem_shared>> -> memref<640x16xf32, #tpu.memory_space<vmem_shared>>
      %dma_wait3A_25 = arith.constant 0 : i32
      %dma_wait3A_26 = tpu.memref_slice %arg6[%mul3A_2, %dma_wait3A_25] : memref<10240x16xf32, #tpu.memory_space<hbm>> -> memref<640x16xf32, #tpu.memory_space<hbm>>
      tpu.wait_dma2 semaphore(%run_scoped3A : memref<!tpu.dma_semaphore, #tpu.memory_space<semaphore_mem>>) src(%dma_wait3A_26 : memref<640x16xf32, #tpu.memory_space<hbm>>) dst(%dma_wait3A_24 : memref<640x16xf32, #tpu.memory_space<vmem_shared>>)
      tpu.yield
    }) : () -> ()
    %barrier3A = arith.constant 0 : index
    tpu.barrier barrier_id(%barrier3A)
    %mul3A_5 = arith.constant 10368 : i32
    %mul3A_6 = arith.muli %add3A, %mul3A_5 : i32
    %scan3A = arith.constant 0 : i32
    %scan3A_7 = arith.constant 0 : i32
    %scan3A_8 = arith.constant 81 : i32
    %scan3A_9 = arith.addi %scan3A_7, %scan3A_8 : i32
    %scan3A_10 = arith.constant 1 : i32
    %scan3A_11 = scf.for %scan3A_21 = %scan3A_7 to %scan3A_9 step %scan3A_10 iter_args(%scan3A_22 = %scan3A) -> (i32)  : i32 {
      %mul3A_23 = arith.constant 128 : i32
      %mul3A_24 = arith.muli %scan3A_21, %mul3A_23 : i32
      %add3A_25 = arith.addi %mul3A_6, %mul3A_24 : i32
      "tpu.region"() ({
        %run_scoped3A = tpu.sem_alloc : memref<!tpu.dma_semaphore, #tpu.memory_space<semaphore_mem>>
        %dma_start3A_44 = tpu.memref_slice %arg2[%add3A_25] : memref<331776xi32, #tpu.memory_space<hbm>> -> memref<128xi32, #tpu.memory_space<hbm>>
        %dma_start3A_45 = tpu.memref_slice %arg2[%add3A_25] : memref<331776xi32, #tpu.memory_space<hbm>> -> memref<128xi32, #tpu.memory_space<hbm>>
        tpu.enqueue_dma source(%dma_start3A_45 : memref<128xi32, #tpu.memory_space<hbm>>) target(%arg8 : memref<128xi32, #tpu.memory_space<vmem>>) target_semaphore(%run_scoped3A : memref<!tpu.dma_semaphore, #tpu.memory_space<semaphore_mem>>)
        %dma_wait3A_46 = tpu.memref_slice %arg2[%add3A_25] : memref<331776xi32, #tpu.memory_space<hbm>> -> memref<128xi32, #tpu.memory_space<hbm>>
        %dma_wait3A_47 = tpu.memref_slice %arg2[%add3A_25] : memref<331776xi32, #tpu.memory_space<hbm>> -> memref<128xi32, #tpu.memory_space<hbm>>
        tpu.wait_dma2 semaphore(%run_scoped3A : memref<!tpu.dma_semaphore, #tpu.memory_space<semaphore_mem>>) src(%dma_wait3A_47 : memref<128xi32, #tpu.memory_space<hbm>>) dst(%arg8 : memref<128xi32, #tpu.memory_space<vmem>>)
        tpu.yield
      }) : () -> ()
      "tpu.region"() ({
        %run_scoped3A = tpu.sem_alloc : memref<!tpu.dma_semaphore, #tpu.memory_space<semaphore_mem>>
        %dma_start3A_44 = tpu.memref_slice %arg3[%add3A_25] : memref<331776xi32, #tpu.memory_space<hbm>> -> memref<128xi32, #tpu.memory_space<hbm>>
        %dma_start3A_45 = tpu.memref_slice %arg3[%add3A_25] : memref<331776xi32, #tpu.memory_space<hbm>> -> memref<128xi32, #tpu.memory_space<hbm>>
        tpu.enqueue_dma source(%dma_start3A_45 : memref<128xi32, #tpu.memory_space<hbm>>) target(%arg9 : memref<128xi32, #tpu.memory_space<vmem>>) target_semaphore(%run_scoped3A : memref<!tpu.dma_semaphore, #tpu.memory_space<semaphore_mem>>)
        %dma_wait3A_46 = tpu.memref_slice %arg3[%add3A_25] : memref<331776xi32, #tpu.memory_space<hbm>> -> memref<128xi32, #tpu.memory_space<hbm>>
        %dma_wait3A_47 = tpu.memref_slice %arg3[%add3A_25] : memref<331776xi32, #tpu.memory_space<hbm>> -> memref<128xi32, #tpu.memory_space<hbm>>
        tpu.wait_dma2 semaphore(%run_scoped3A : memref<!tpu.dma_semaphore, #tpu.memory_space<semaphore_mem>>) src(%dma_wait3A_47 : memref<128xi32, #tpu.memory_space<hbm>>) dst(%arg9 : memref<128xi32, #tpu.memory_space<vmem>>)
        tpu.yield
      }) : () -> ()
      %dma_start3A = arith.constant 0 : i32
      %dma_start3A_26 = arith.constant 0 : i32
      %dma_start3A_27 = tpu.memref_slice %arg4[%dma_start3A, %dma_start3A_26] : memref<10240x32xf32, #tpu.memory_space<hbm>> -> memref<10240x32xf32, #tpu.memory_space<hbm>>
      tpu.enqueue_indirect_dma source(%dma_start3A_27 : memref<10240x32xf32, #tpu.memory_space<hbm>>) target(%arg10 : memref<128x32xf32, #tpu.memory_space<vmem>>) offsets(%arg8 : memref<128xi32, #tpu.memory_space<vmem>>) semaphore(%arg14 : memref<!tpu.dma_semaphore, #tpu.memory_space<semaphore_mem>>)
      %dma_start3A_28 = arith.constant 0 : i32
      %dma_start3A_29 = arith.constant 0 : i32
      %dma_start3A_30 = tpu.memref_slice %arg5[%dma_start3A_28, %dma_start3A_29] : memref<10240x16xf32, #tpu.memory_space<hbm>> -> memref<10240x16xf32, #tpu.memory_space<hbm>>
      tpu.enqueue_indirect_dma source(%dma_start3A_30 : memref<10240x16xf32, #tpu.memory_space<hbm>>) target(%arg11 : memref<128x16xf32, #tpu.memory_space<vmem>>) offsets(%arg9 : memref<128xi32, #tpu.memory_space<vmem>>) semaphore(%arg15 : memref<!tpu.dma_semaphore, #tpu.memory_space<semaphore_mem>>)
      %dma_wait3A = arith.constant 0 : i32
      %dma_wait3A_31 = arith.constant 0 : i32
      %dma_wait3A_32 = tpu.memref_slice %arg4[%dma_wait3A, %dma_wait3A_31] : memref<10240x32xf32, #tpu.memory_space<hbm>> -> memref<10240x32xf32, #tpu.memory_space<hbm>>
      tpu.wait_indirect_dma semaphore(%arg14 : memref<!tpu.dma_semaphore, #tpu.memory_space<semaphore_mem>>) src(%dma_wait3A_32 : memref<10240x32xf32, #tpu.memory_space<hbm>>) dst(%arg10 : memref<128x32xf32, #tpu.memory_space<vmem>>)
      %dma_wait3A_33 = arith.constant 0 : i32
      %dma_wait3A_34 = arith.constant 0 : i32
      %dma_wait3A_35 = tpu.memref_slice %arg5[%dma_wait3A_33, %dma_wait3A_34] : memref<10240x16xf32, #tpu.memory_space<hbm>> -> memref<10240x16xf32, #tpu.memory_space<hbm>>
      tpu.wait_indirect_dma semaphore(%arg15 : memref<!tpu.dma_semaphore, #tpu.memory_space<semaphore_mem>>) src(%dma_wait3A_35 : memref<10240x16xf32, #tpu.memory_space<hbm>>) dst(%arg11 : memref<128x16xf32, #tpu.memory_space<vmem>>)
      %scan3A_36 = arith.constant 0 : i32
      %scan3A_37 = arith.constant 0 : i32
      %scan3A_38 = arith.constant 128 : i32
      %scan3A_39 = arith.addi %scan3A_37, %scan3A_38 : i32
      %scan3A_40 = arith.constant 1 : i32
      %scan3A_41 = scf.for %scan3A_44 = %scan3A_37 to %scan3A_39 step %scan3A_40 iter_args(%scan3A_45 = %scan3A_36) -> (i32)  : i32 {
        %get3A = arith.index_cast %scan3A_44 : i32 to index
        %get3A_46 = arith.constant 16 : index
        %get3A_47 = tpu.vector_load %arg10[%get3A, %get3A_46] {strides = array<i32>} : memref<128x32xf32, #tpu.memory_space<vmem>>, vector<1x16xf32>,
        %get3A_48 = vector.shape_cast %get3A_47 : vector<1x16xf32> to vector<16xf32>
        %get3A_49 = arith.index_cast %scan3A_44 : i32 to index
        %get3A_50 = arith.constant 0 : index
        %get3A_51 = tpu.vector_load %arg11[%get3A_49, %get3A_50] {strides = array<i32>} : memref<128x16xf32, #tpu.memory_space<vmem>>, vector<1x16xf32>,
        %get3A_52 = vector.shape_cast %get3A_51 : vector<1x16xf32> to vector<16xf32>
        %add3A_53 = arith.addf %get3A_48, %get3A_52 : vector<16xf32>
        %gt3A = arith.constant 0.000000e+00 : f32
        %gt3A_54 = vector.broadcast %gt3A : f32 to vector<16xf32>
        %gt3A_55 = arith.cmpf ogt, %add3A_53, %gt3A_54 : vector<16xf32>
        %mul3A_56 = arith.constant 2.000000e-01 : f32
        %mul3A_57 = vector.broadcast %mul3A_56 : f32 to vector<16xf32>
        %mul3A_58 = arith.mulf %mul3A_57, %add3A_53 : vector<16xf32>
        %select_n3A = arith.select %gt3A_55, %add3A_53, %mul3A_58 : vector<16xi1>, vector<16xf32>
        %exp3A = math.exp %select_n3A : vector<16xf32>
        %get3A_59 = arith.index_cast %scan3A_44 : i32 to index
        %get3A_60 = arith.constant 0 : index
        %get3A_61 = tpu.vector_load %arg10[%get3A_59, %get3A_60] {strides = array<i32>} : memref<128x32xf32, #tpu.memory_space<vmem>>, vector<1x16xf32>,
        %get3A_62 = vector.shape_cast %get3A_61 : vector<1x16xf32> to vector<16xf32>
        %mul3A_63 = arith.mulf %get3A_62, %exp3A : vector<16xf32>
        %swap3A = arith.index_cast %scan3A_44 : i32 to index
        %swap3A_64 = arith.constant 0 : index
        %swap3A_65 = tpu.vector_load %arg12[%swap3A, %swap3A_64] {strides = array<i32>} : memref<128x16xf32, #tpu.memory_space<vmem>>, vector<1x16xf32>,
        %swap3A_66 = vector.shape_cast %swap3A_65 : vector<1x16xf32> to vector<16xf32>
        %swap3A_67 = vector.shape_cast %mul3A_63 : vector<16xf32> to vector<1x16xf32>
        tpu.vector_store %arg12[%swap3A, %swap3A_64], %swap3A_67 {strides = array<i32>} : memref<128x16xf32, #tpu.memory_space<vmem>>, vector<1x16xf32>,
        %scan3A_68 = arith.constant 0 : i32
        scf.yield %scan3A_68 : i32
      }
      %scan3A_42 = arith.constant 128 : i32
      "tpu.region"() ({
        %run_scoped3A = tpu.sem_alloc : memref<!tpu.dma_semaphore, #tpu.memory_space<semaphore_mem>>
        %dma_start3A_44 = arith.constant 0 : i32
        %dma_start3A_45 = arith.constant 0 : i32
        %dma_start3A_46 = tpu.memref_slice %arg13[%dma_start3A_44, %dma_start3A_45] : memref<10240x16xf32, #tpu.memory_space<vmem_shared>> -> memref<10240x16xf32, #tpu.memory_space<vmem_shared>>
        tpu.enqueue_indirect_dma source(%arg12 : memref<128x16xf32, #tpu.memory_space<vmem>>) target(%dma_start3A_46 : memref<10240x16xf32, #tpu.memory_space<vmem_shared>>) offsets(%arg9 : memref<128xi32, #tpu.memory_space<vmem>>) semaphore(%run_scoped3A : memref<!tpu.dma_semaphore, #tpu.memory_space<semaphore_mem>>) {add = true}
        %dma_wait3A_47 = arith.constant 0 : i32
        %dma_wait3A_48 = arith.constant 0 : i32
        %dma_wait3A_49 = tpu.memref_slice %arg13[%dma_wait3A_47, %dma_wait3A_48] : memref<10240x16xf32, #tpu.memory_space<vmem_shared>> -> memref<10240x16xf32, #tpu.memory_space<vmem_shared>>
        tpu.wait_indirect_dma semaphore(%run_scoped3A : memref<!tpu.dma_semaphore, #tpu.memory_space<semaphore_mem>>) src(%arg12 : memref<128x16xf32, #tpu.memory_space<vmem>>) dst(%dma_wait3A_49 : memref<10240x16xf32, #tpu.memory_space<vmem_shared>>)
        tpu.yield
      }) : () -> ()
      %scan3A_43 = arith.constant 0 : i32
      scf.yield %scan3A_43 : i32
    }
    %scan3A_12 = arith.constant 81 : i32
    %barrier3A_13 = arith.constant 0 : index
    tpu.barrier barrier_id(%barrier3A_13)
    %mul3A_14 = arith.constant 640 : i32
    %mul3A_15 = arith.muli %arg1, %mul3A_14 : i32
    %mul3A_16 = arith.constant 10240 : i32
    %mul3A_17 = arith.muli %arg0, %mul3A_16 : i32
    %mul3A_18 = arith.constant 640 : i32
    %mul3A_19 = arith.muli %arg1, %mul3A_18 : i32
    %add3A_20 = arith.addi %mul3A_17, %mul3A_19 : i32
    "tpu.region"() ({
      %run_scoped3A = tpu.sem_alloc : memref<!tpu.dma_semaphore, #tpu.memory_space<semaphore_mem>>
      %dma_start3A = arith.constant 0 : i32
      %dma_start3A_21 = tpu.memref_slice %arg7[%add3A_20, %dma_start3A] : memref<20480x16xf32, #tpu.memory_space<hbm>> -> memref<640x16xf32, #tpu.memory_space<hbm>>
      %dma_start3A_22 = arith.constant 0 : i32
      %dma_start3A_23 = tpu.memref_slice %arg13[%mul3A_15, %dma_start3A_22] : memref<10240x16xf32, #tpu.memory_space<vmem_shared>> -> memref<640x16xf32, #tpu.memory_space<vmem_shared>>
      tpu.enqueue_dma source(%dma_start3A_23 : memref<640x16xf32, #tpu.memory_space<vmem_shared>>) target(%dma_start3A_21 : memref<640x16xf32, #tpu.memory_space<hbm>>) target_semaphore(%run_scoped3A : memref<!tpu.dma_semaphore, #tpu.memory_space<semaphore_mem>>)
      %dma_wait3A = arith.constant 0 : i32
      %dma_wait3A_24 = tpu.memref_slice %arg7[%add3A_20, %dma_wait3A] : memref<20480x16xf32, #tpu.memory_space<hbm>> -> memref<640x16xf32, #tpu.memory_space<hbm>>
      %dma_wait3A_25 = arith.constant 0 : i32
      %dma_wait3A_26 = tpu.memref_slice %arg13[%mul3A_15, %dma_wait3A_25] : memref<10240x16xf32, #tpu.memory_space<vmem_shared>> -> memref<640x16xf32, #tpu.memory_space<vmem_shared>>
      tpu.wait_dma2 semaphore(%run_scoped3A : memref<!tpu.dma_semaphore, #tpu.memory_space<semaphore_mem>>) src(%dma_wait3A_26 : memref<640x16xf32, #tpu.memory_space<vmem_shared>>) dst(%dma_wait3A_24 : memref<640x16xf32, #tpu.memory_space<hbm>>)
      tpu.yield
    }) : () -> ()
    return
  }
}

module attributes {stable_mosaic.version = 14 : i64} {
  func.func @_pre_body(%arg0: i32, %arg1: memref<1024x128xf32, #tpu.memory_space<vmem>>, %arg2: memref<128x192xf32, #tpu.memory_space<vmem>>, %arg3: memref<1024x128xf32, #tpu.memory_space<vmem>>, %arg4: memref<1024x64xf32, #tpu.memory_space<vmem>>) attributes {dimension_semantics = [#tpu.dimension_semantics<arbitrary>], iteration_bounds = array<i64: 10>, scalar_prefetch = 0 : i64, scratch_operands = 0 : i64, tpu.core_type = #tpu.core_type<tc>, window_params = [{transform_indices = @transform_0, window_bounds = array<i64: 1024, 128>}, {pipeline_mode = #tpu.pipeline_mode<synchronous>, transform_indices = @transform_1, window_bounds = array<i64: 128, 192>}, {transform_indices = @transform_2, window_bounds = array<i64: 1024, 128>}, {transform_indices = @transform_3, window_bounds = array<i64: 1024, 64>}]} {
    %get3A = arith.constant 0 : index
    %get3A_0 = arith.constant 0 : index
    %get3A_1 = vector.load %arg1[%get3A, %get3A_0] : memref<1024x128xf32, #tpu.memory_space<vmem>>, vector<1024x128xf32>
    %get3A_2 = arith.constant 0 : index
    %get3A_3 = arith.constant 0 : index
    %get3A_4 = vector.load %arg2[%get3A_2, %get3A_3] : memref<128x192xf32, #tpu.memory_space<vmem>>, vector<128x192xf32>
    %dot_general3A = arith.constant dense<0.000000e+00> : vector<1024x192xf32>
    %dot_general3A_5 = tpu.matmul %get3A_1, %get3A_4, %dot_general3A {dimension_numbers = #tpu.dot_dimension_numbers<[1], [0], [0], [1], [0, 0, 1, 1], [], []>, transpose_lhs_hint = false} : vector<1024x128xf32>, vector<128x192xf32>, vector<1024x192xf32> -> vector<1024x192xf32>
    %slice3A = vector.extract_strided_slice %dot_general3A_5 {offsets = [0, 0], sizes = [1024, 128], strides = [1, 1]} : vector<1024x192xf32> to vector<1024x128xf32>
    %swap3A = arith.constant 0 : index
    %swap3A_6 = arith.constant 0 : index
    %swap3A_7 = vector.load %arg3[%swap3A, %swap3A_6] : memref<1024x128xf32, #tpu.memory_space<vmem>>, vector<1024x128xf32>
    tpu.vector_store %arg3[%swap3A, %swap3A_6], %slice3A {strides = array<i32>} : memref<1024x128xf32, #tpu.memory_space<vmem>>, vector<1024x128xf32>,
    %slice3A_8 = vector.extract_strided_slice %dot_general3A_5 {offsets = [0, 128], sizes = [1024, 64], strides = [1, 1]} : vector<1024x192xf32> to vector<1024x64xf32>
    %swap3A_9 = arith.constant 0 : index
    %swap3A_10 = arith.constant 0 : index
    %swap3A_11 = vector.load %arg4[%swap3A_9, %swap3A_10] : memref<1024x64xf32, #tpu.memory_space<vmem>>, vector<1024x64xf32>
    tpu.vector_store %arg4[%swap3A_9, %swap3A_10], %slice3A_8 {strides = array<i32>} : memref<1024x64xf32, #tpu.memory_space<vmem>>, vector<1024x64xf32>,
    return
  }
  func.func @transform_0(%arg0: i32) -> (i32, i32) {
    %c0_i32 = arith.constant 0 : i32
    %c0_i32_0 = arith.constant 0 : i32
    return %arg0, %c0_i32 : i32, i32
  }
  func.func @transform_1(%arg0: i32) -> (i32, i32) {
    %c0_i32 = arith.constant 0 : i32
    %c0_i32_0 = arith.constant 0 : i32
    %c0_i32_1 = arith.constant 0 : i32
    return %c0_i32, %c0_i32_0 : i32, i32
  }
  func.func @transform_2(%arg0: i32) -> (i32, i32) {
    %c0_i32 = arith.constant 0 : i32
    %c0_i32_0 = arith.constant 0 : i32
    return %arg0, %c0_i32 : i32, i32
  }
  func.func @transform_3(%arg0: i32) -> (i32, i32) {
    %c0_i32 = arith.constant 0 : i32
    %c0_i32_0 = arith.constant 0 : i32
    return %arg0, %c0_i32 : i32, i32
  }
}

module attributes {stable_mosaic.version = 14 : i64} {
  func.func @_mid_body(%arg0: i32, %arg1: memref<1024x128xf32, #tpu.memory_space<vmem>>, %arg2: memref<1024x128xf32, #tpu.memory_space<vmem>>, %arg3: memref<1x64xf32, #tpu.memory_space<vmem>>, %arg4: memref<64x48xf32, #tpu.memory_space<vmem>>, %arg5: memref<1024x32xf32, #tpu.memory_space<vmem>>, %arg6: memref<1024x16xf32, #tpu.memory_space<vmem>>) attributes {dimension_semantics = [#tpu.dimension_semantics<arbitrary>], iteration_bounds = array<i64: 10>, scalar_prefetch = 0 : i64, scratch_operands = 0 : i64, tpu.core_type = #tpu.core_type<tc>, window_params = [{transform_indices = @transform_0, window_bounds = array<i64: 1024, 128>}, {transform_indices = @transform_1, window_bounds = array<i64: 1024, 128>}, {pipeline_mode = #tpu.pipeline_mode<synchronous>, transform_indices = @transform_2, window_bounds = array<i64: 1, 64>}, {pipeline_mode = #tpu.pipeline_mode<synchronous>, transform_indices = @transform_3, window_bounds = array<i64: 64, 48>}, {transform_indices = @transform_4, window_bounds = array<i64: 1024, 32>}, {transform_indices = @transform_5, window_bounds = array<i64: 1024, 16>}]} {
    %get3A = arith.constant 0 : index
    %get3A_0 = arith.constant 0 : index
    %get3A_1 = vector.load %arg1[%get3A, %get3A_0] : memref<1024x128xf32, #tpu.memory_space<vmem>>, vector<1024x64xf32>
    %get3A_2 = arith.constant 0 : index
    %get3A_3 = arith.constant 0 : index
    %get3A_4 = vector.load %arg2[%get3A_2, %get3A_3] : memref<1024x128xf32, #tpu.memory_space<vmem>>, vector<1024x64xf32>
    %add3A = arith.addf %get3A_1, %get3A_4 : vector<1024x64xf32>
    %get3A_5 = arith.constant 0 : index
    %get3A_6 = arith.constant 64 : index
    %get3A_7 = vector.load %arg1[%get3A_5, %get3A_6] : memref<1024x128xf32, #tpu.memory_space<vmem>>, vector<1024x64xf32>
    %get3A_8 = arith.constant 0 : index
    %get3A_9 = arith.constant 64 : index
    %get3A_10 = vector.load %arg2[%get3A_8, %get3A_9] : memref<1024x128xf32, #tpu.memory_space<vmem>>, vector<1024x64xf32>
    %add3A_11 = arith.addf %get3A_7, %get3A_10 : vector<1024x64xf32>
    %add3A_12 = arith.constant 1.000000e-16 : f32
    %add3A_13 = vector.broadcast %add3A_12 : f32 to vector<1024x64xf32>
    %add3A_14 = arith.addf %add3A_11, %add3A_13 : vector<1024x64xf32>
    %div3A = arith.divf %add3A, %add3A_14 : vector<1024x64xf32>
    %get3A_15 = arith.constant 0 : index
    %get3A_16 = arith.constant 0 : index
    %get3A_17 = vector.load %arg3[%get3A_15, %get3A_16] : memref<1x64xf32, #tpu.memory_space<vmem>>, vector<1x64xf32>
    %add3A_18 = vector.broadcast %get3A_17 : vector<1x64xf32> to vector<1024x64xf32>
    %add3A_19 = arith.addf %div3A, %add3A_18 : vector<1024x64xf32>
    %max3A = arith.constant 0.000000e+00 : f32
    %max3A_20 = vector.broadcast %max3A : f32 to vector<1024x64xf32>
    %max3A_21 = arith.maximumf %add3A_19, %max3A_20 : vector<1024x64xf32>
    %get3A_22 = arith.constant 0 : index
    %get3A_23 = arith.constant 0 : index
    %get3A_24 = vector.load %arg4[%get3A_22, %get3A_23] : memref<64x48xf32, #tpu.memory_space<vmem>>, vector<64x48xf32>
    %dot_general3A = arith.constant dense<0.000000e+00> : vector<1024x48xf32>
    %dot_general3A_25 = tpu.matmul %max3A_21, %get3A_24, %dot_general3A {dimension_numbers = #tpu.dot_dimension_numbers<[1], [0], [0], [1], [0, 0, 1, 1], [], []>, transpose_lhs_hint = false} : vector<1024x64xf32>, vector<64x48xf32>, vector<1024x48xf32> -> vector<1024x48xf32>
    %iota3A = tpu.iota {dimensions = array<i32: 1>} : vector<1024x48xi32>
    %eq3A = arith.constant 1 : i32
    %eq3A_26 = vector.broadcast %eq3A : i32 to vector<1024x48xi32>
    %eq3A_27 = arith.cmpi eq, %iota3A, %eq3A_26 : vector<1024x48xi32>
    %convert_element_type3A = arith.extui %eq3A_27 : vector<1024x48xi1> to vector<1024x48xi32>
    %convert_element_type3A_28 = arith.sitofp %convert_element_type3A : vector<1024x48xi32> to vector<1024x48xf32>
    %add3A_29 = arith.addf %dot_general3A_25, %convert_element_type3A_28 : vector<1024x48xf32>
    %slice3A = vector.extract_strided_slice %add3A_29 {offsets = [0, 0], sizes = [1024, 32], strides = [1, 1]} : vector<1024x48xf32> to vector<1024x32xf32>
    %swap3A = arith.constant 0 : index
    %swap3A_30 = arith.constant 0 : index
    %swap3A_31 = vector.load %arg5[%swap3A, %swap3A_30] : memref<1024x32xf32, #tpu.memory_space<vmem>>, vector<1024x32xf32>
    tpu.vector_store %arg5[%swap3A, %swap3A_30], %slice3A {strides = array<i32>} : memref<1024x32xf32, #tpu.memory_space<vmem>>, vector<1024x32xf32>,
    %slice3A_32 = vector.extract_strided_slice %add3A_29 {offsets = [0, 32], sizes = [1024, 16], strides = [1, 1]} : vector<1024x48xf32> to vector<1024x16xf32>
    %swap3A_33 = arith.constant 0 : index
    %swap3A_34 = arith.constant 0 : index
    %swap3A_35 = vector.load %arg6[%swap3A_33, %swap3A_34] : memref<1024x16xf32, #tpu.memory_space<vmem>>, vector<1024x16xf32>
    tpu.vector_store %arg6[%swap3A_33, %swap3A_34], %slice3A_32 {strides = array<i32>} : memref<1024x16xf32, #tpu.memory_space<vmem>>, vector<1024x16xf32>,
    return
  }
  func.func @transform_0(%arg0: i32) -> (i32, i32) {
    %c0_i32 = arith.constant 0 : i32
    %c0_i32_0 = arith.constant 0 : i32
    return %arg0, %c0_i32 : i32, i32
  }
  func.func @transform_1(%arg0: i32) -> (i32, i32) {
    %add3A = arith.constant 10 : i32
    %add3A_0 = arith.addi %add3A, %arg0 : i32
    %c0_i32 = arith.constant 0 : i32
    %c0_i32_1 = arith.constant 0 : i32
    return %add3A_0, %c0_i32 : i32, i32
  }
  func.func @transform_2(%arg0: i32) -> (i32, i32) {
    %c0_i32 = arith.constant 0 : i32
    %c0_i32_0 = arith.constant 0 : i32
    %c0_i32_1 = arith.constant 0 : i32
    return %c0_i32, %c0_i32_0 : i32, i32
  }
  func.func @transform_3(%arg0: i32) -> (i32, i32) {
    %c0_i32 = arith.constant 0 : i32
    %c0_i32_0 = arith.constant 0 : i32
    %c0_i32_1 = arith.constant 0 : i32
    return %c0_i32, %c0_i32_0 : i32, i32
  }
  func.func @transform_4(%arg0: i32) -> (i32, i32) {
    %c0_i32 = arith.constant 0 : i32
    %c0_i32_0 = arith.constant 0 : i32
    return %arg0, %c0_i32 : i32, i32
  }
  func.func @transform_5(%arg0: i32) -> (i32, i32) {
    %c0_i32 = arith.constant 0 : i32
    %c0_i32_0 = arith.constant 0 : i32
    return %arg0, %c0_i32 : i32, i32
  }
}

module attributes {stable_mosaic.version = 14 : i64} {
  func.func @_post_body(%arg0: i32, %arg1: memref<1024x16xf32, #tpu.memory_space<vmem>>, %arg2: memref<1024x16xf32, #tpu.memory_space<vmem>>, %arg3: memref<1x16xf32, #tpu.memory_space<vmem>>, %arg4: memref<1024x16xf32, #tpu.memory_space<vmem>>) attributes {dimension_semantics = [#tpu.dimension_semantics<arbitrary>], iteration_bounds = array<i64: 10>, scalar_prefetch = 0 : i64, scratch_operands = 0 : i64, tpu.core_type = #tpu.core_type<tc>, window_params = [{transform_indices = @transform_0, window_bounds = array<i64: 1024, 16>}, {transform_indices = @transform_1, window_bounds = array<i64: 1024, 16>}, {pipeline_mode = #tpu.pipeline_mode<synchronous>, transform_indices = @transform_2, window_bounds = array<i64: 1, 16>}, {transform_indices = @transform_3, window_bounds = array<i64: 1024, 16>}]} {
    %get3A = arith.constant 0 : index
    %get3A_0 = arith.constant 0 : index
    %get3A_1 = vector.load %arg1[%get3A, %get3A_0] : memref<1024x16xf32, #tpu.memory_space<vmem>>, vector<1024x1xf32>
    %get3A_2 = arith.constant 0 : index
    %get3A_3 = arith.constant 0 : index
    %get3A_4 = vector.load %arg2[%get3A_2, %get3A_3] : memref<1024x16xf32, #tpu.memory_space<vmem>>, vector<1024x1xf32>
    %add3A = arith.addf %get3A_1, %get3A_4 : vector<1024x1xf32>
    %get3A_5 = arith.constant 0 : index
    %get3A_6 = arith.constant 1 : index
    %get3A_7 = vector.load %arg1[%get3A_5, %get3A_6] : memref<1024x16xf32, #tpu.memory_space<vmem>>, vector<1024x1xf32>
    %get3A_8 = arith.constant 0 : index
    %get3A_9 = arith.constant 1 : index
    %get3A_10 = vector.load %arg2[%get3A_8, %get3A_9] : memref<1024x16xf32, #tpu.memory_space<vmem>>, vector<1024x1xf32>
    %add3A_11 = arith.addf %get3A_7, %get3A_10 : vector<1024x1xf32>
    %add3A_12 = arith.constant 1.000000e-16 : f32
    %add3A_13 = vector.broadcast %add3A_12 : f32 to vector<1024x1xf32>
    %add3A_14 = arith.addf %add3A_11, %add3A_13 : vector<1024x1xf32>
    %div3A = arith.divf %add3A, %add3A_14 : vector<1024x1xf32>
    %get3A_15 = arith.constant 0 : index
    %get3A_16 = arith.constant 0 : index
    %get3A_17 = vector.load %arg3[%get3A_15, %get3A_16] : memref<1x16xf32, #tpu.memory_space<vmem>>, vector<1x16xf32>
    %add3A_18 = vector.broadcast %div3A : vector<1024x1xf32> to vector<1024x16xf32>
    %add3A_19 = vector.broadcast %get3A_17 : vector<1x16xf32> to vector<1024x16xf32>
    %add3A_20 = arith.addf %add3A_18, %add3A_19 : vector<1024x16xf32>
    %swap3A = arith.constant 0 : index
    %swap3A_21 = arith.constant 0 : index
    %swap3A_22 = vector.load %arg4[%swap3A, %swap3A_21] : memref<1024x16xf32, #tpu.memory_space<vmem>>, vector<1024x16xf32>
    tpu.vector_store %arg4[%swap3A, %swap3A_21], %add3A_20 {strides = array<i32>} : memref<1024x16xf32, #tpu.memory_space<vmem>>, vector<1024x16xf32>,
    return
  }
  func.func @transform_0(%arg0: i32) -> (i32, i32) {
    %c0_i32 = arith.constant 0 : i32
    %c0_i32_0 = arith.constant 0 : i32
    return %arg0, %c0_i32 : i32, i32
  }
  func.func @transform_1(%arg0: i32) -> (i32, i32) {
    %add3A = arith.constant 10 : i32
    %add3A_0 = arith.addi %add3A, %arg0 : i32
    %c0_i32 = arith.constant 0 : i32
    %c0_i32_1 = arith.constant 0 : i32
    return %add3A_0, %c0_i32 : i32, i32
  }
  func.func @transform_2(%arg0: i32) -> (i32, i32) {
    %c0_i32 = arith.constant 0 : i32
    %c0_i32_0 = arith.constant 0 : i32
    %c0_i32_1 = arith.constant 0 : i32
    return %c0_i32, %c0_i32_0 : i32, i32
  }
  func.func @transform_3(%arg0: i32) -> (i32, i32) {
    %c0_i32 = arith.constant 0 : i32
    %c0_i32_0 = arith.constant 0 : i32
    return %arg0, %c0_i32 : i32, i32
  }
}

</mosaic_0001>

<sc_bundles>
// kernel: kernel.10.cloned.1.call-start
scs
__scs_entry_jumppad:
0x0: {  	(pc) =	sbr.rel $0x88, $3  }
0x1: {  	(tag) =	ssettag $0x0;
	lr =	simm.s32 $0x1  }
0x2: {  	[smem:$0x3F97] =	sst lr;
	_ =	strace $0xD0000000  }
0x3: {  	_ = 	snop  }
0x4: {  	_ = 	snop  }
0x5: {  	_ = 	snop  }
0x6: {  	_ = 	snop  }
0x7: {  	_ = 	snop  }
__scs_overlays_trampoline_lowered:
0x8: {  	[smem:$0x3FA6] =	sst s0  }
0x9: {  	[smem:$0x3FA7] =	sst s1  }
0xa: {  	[smem:$0x3FA8] =	sst s2  }
0xb: {  	[smem:$0x3FA9] =	sst s3  }
0xc: {  	[smem:$0x3FAA] =	sst s4  }
0xd: {  	[smem:$0x3FAB] =	sst s5  }
0xe: {  	[smem:$0x3FAC] =	sst s6  }
0xf: {  	[smem:$0x3FAD] =	sst s7  }
0x10: {  	[smem:$0x3FAE] =	sst s8  }
0x11: {  	[smem:$0x3FAF] =	sst s9;
	s0 =	simm.s32 @!p0 $0x0  }
0x12: {  	s1 =	sld [smem:$0x3F95];
	s0 =	simm.s32 @p0 $0x1  }
0x13: {  	[smem:$0x3FB0] =	sst s0;
	s0 =	simm.s32 @!p1 $0x0  }
0x14: {  	s2 =	sld [smem:$0x3F94];
	s0 =	simm.s32 @p1 $0x1  }
0x15: {  	[smem:$0x3FB1] =	sst s0;
	s0 =	simm.s32 @!p2 $0x0  }
0x16: {  	s3 =	sld [smem:$0x3FDB];
	s0 =	simm.s32 @p2 $0x1  }
0x17: {  	s4 =	simm.s32 $0x1BF5;
	[smem:$0x3FB3] =	sst s0  }
0x18: {  	s0 =	sld [smem:$0x3F96];
	_ =	swait.ge [sflag:s4], $0x0  }
0x19: {  	s7 =	sld [smem:$0x3F97]  }
0x1a: {  	s8 =	sadd.s32 $0xFFFFE003, lr  }
0x1b: {  	s9 =	sadd.s32 $0xFFFFFEF7, lr;
	s5 =	simm.s32 $0xFFFFFFFF;
	p2 =	slt.u32 s8, $0xFFFFF086  }
0x1c: {  	p1 =	slt.u32 s9, $0xF7A;
	s5 =	simm.s32 @!p2 $0x0  }
0x1d: {  	s5 =	simm.s32 @p1 $0x1;
	p0 =	seq.s32 s7, s2  }
0x1e: {  	s7 =	smul.u32 @!p0 $0xF7A, s2;
	p2 =	seq.s32 @!p0 s5, $0x0  }
0x1f: {  	s9 =	smul.u32 $0xF7A, s1;
	s8 =	simm.s32 @!p0 $0x1BF5;
	p2 =	por !p2, p0  }
0x20: {  	[sflag:s8] =	ssyncset.s32 @!p0 $0xFFFFF086;
	s6 =	sadd.s32 @!p0 s3, s7;
	s7 =	simm.s32 @!p0 $0x108  }
0x21: {  	s3 =	sadd.s32 s3, s9;
	s6 =	sadd.s32 @!p0 $0x88, s6;
	s7 =	simm.s32 @p2 $0x1082  }
0x22: {  	[simem:s7], [sflag:s8] =	dma.local @!p0 [hbm:s6], $0xF7A  }
0x23: {  	s9 =	sor.u32 $0xD0000000, s2;
	s6 =	simm.s32 $0x108;
	_ =	swait.ge @!p0 [sflag:s8], $0x0  }
0x24: {  	s3 =	sadd.s32 $0x88, s3;
	s6 =	simm.s32 @!p1 $0x1082;
	[sflag:s4] =	ssyncset.s32 $0xFFFFF086  }
0x25: {  	[simem:s6], [sflag:s4] =	dma.local [hbm:s3], $0xF7A  }
0x26: {  	[smem:$0x3F97] =	sst s1;
	(tag) =	ssettag s2;
	_ =	strace s9  }
0x27: {  	s1 =	sld [smem:$0x3FA7]  }
0x28: {  	s2 =	sld [smem:$0x3FA8]  }
0x29: {  	s4 =	sld [smem:$0x3FAA]  }
0x2a: {  	p0 =	seq.s32 s5, $0x0;
	s5 =	sld [smem:$0x3FAB]  }
0x2b: {  	s6 =	sld [smem:$0x3FAC]  }
0x2c: {  	s7 =	sld [smem:$0x3FAD]  }
0x2d: {  	s3 =	simm.s32 $0x108;
	s8 =	sld [smem:$0x3FAE]  }
0x2e: {  	s3 =	simm.s32 @!p0 $0x1082;
	s9 =	sld [smem:$0x3FAF]  }
0x2f: {  	lr =	sadd.s32 s0, s3;
	s0 =	sld [smem:$0x3FA6]  }
0x30: {  	s3 =	sld [smem:$0x3FA9]  }
0x31: {  	[smem:$0x3FB2] =	sst s10  }
0x32: {  	s10 =	sld [smem:$0x3FB0];
	_ =	sdelay $0x3  }
0x33: {  	p0 =	seq.s32 s10, $0x1;
	s10 =	sld [smem:$0x3FB2];
	_ =	sdelay $0x3  }
0x34: {  	[smem:$0x3FB2] =	sst s10  }
0x35: {  	s10 =	sld [smem:$0x3FB1];
	_ =	sdelay $0x3  }
0x36: {  	p1 =	seq.s32 s10, $0x1;
	s10 =	sld [smem:$0x3FB2];
	_ =	sdelay $0x3  }
0x37: {  	[smem:$0x3FB2] =	sst s10  }
0x38: {  	s10 =	sld [smem:$0x3FB3]  }
0x39: {  	_ = 	snop;
	(pc) =	sbr.ind lr, $3  }
0x3a: {  	_ = 	snop  }
0x3b: {  	_ = 	snop  }
0x3c: {  	p2 =	seq.s32 s10, $0x1;
	s10 =	sld [smem:$0x3FB2]  }
0x3d: {  	_ =	shalt  }
0x3e: {  	_ =	shalt  }
0x3f: {  	_ =	shalt  }
0x40: {  	_ =	shalt  }
0x41: {  	_ =	shalt  }
0x42: {  	_ =	shalt  }
0x43: {  	_ =	shalt  }
0x44: {  	_ =	shalt  }
0x45: {  	_ =	shalt  }
0x46: {  	_ =	shalt  }
0x47: {  	_ =	shalt  }
0x48: {  	_ =	shalt  }
0x49: {  	_ =	shalt  }
0x4a: {  	_ =	shalt  }
0x4b: {  	_ =	shalt  }
0x4c: {  	_ =	shalt  }
0x4d: {  	_ =	shalt  }
0x4e: {  	_ =	shalt  }
0x4f: {  	_ =	shalt  }
0x50: {  	_ =	shalt  }
0x51: {  	_ =	shalt  }
0x52: {  	_ =	shalt  }
0x53: {  	_ =	shalt  }
0x54: {  	_ =	shalt  }
0x55: {  	_ =	shalt  }
0x56: {  	_ =	shalt  }
0x57: {  	_ =	shalt  }
0x58: {  	_ =	shalt  }
0x59: {  	_ =	shalt  }
0x5a: {  	_ =	shalt  }
0x5b: {  	_ =	shalt  }
0x5c: {  	_ =	shalt  }
0x5d: {  	_ =	shalt  }
0x5e: {  	_ =	shalt  }
0x5f: {  	_ =	shalt  }
0x60: {  	_ =	shalt  }
0x61: {  	_ =	shalt  }
0x62: {  	_ =	shalt  }
0x63: {  	_ =	shalt  }
0x64: {  	_ =	shalt  }
0x65: {  	_ =	shalt  }
0x66: {  	_ =	shalt  }
0x67: {  	_ =	shalt  }
0x68: {  	_ =	shalt  }
0x69: {  	_ =	shalt  }
0x6a: {  	_ =	shalt  }
0x6b: {  	_ =	shalt  }
0x6c: {  	_ =	shalt  }
0x6d: {  	_ =	shalt  }
0x6e: {  	_ =	shalt  }
0x6f: {  	_ =	shalt  }
0x70: {  	_ =	shalt  }
0x71: {  	_ =	shalt  }
0x72: {  	_ =	shalt  }
0x73: {  	_ =	shalt  }
0x74: {  	_ =	shalt  }
0x75: {  	_ =	shalt  }
0x76: {  	_ =	shalt  }
0x77: {  	_ =	shalt  }
0x78: {  	_ =	shalt  }
0x79: {  	_ =	shalt  }
0x7a: {  	_ =	shalt  }
0x7b: {  	_ =	shalt  }
0x7c: {  	_ =	shalt  }
0x7d: {  	_ =	shalt  }
0x7e: {  	_ =	shalt  }
0x7f: {  	_ =	shalt  }
0x80: {  	_ =	shalt  }
0x81: {  	_ =	shalt  }
0x82: {  	_ =	shalt  }
0x83: {  	_ =	shalt  }
0x84: {  	_ =	shalt  }
0x85: {  	_ =	shalt  }
0x86: {  	_ =	shalt  }
0x87: {  	_ =	shalt  }
.Lfunc_end0:
.L_simem_size_0:
called_computation.1_lowered:
.L_overlay_start_0:
0x88: {  	s2 =	sld [smem:$0x3FD9]  }
0x89: {  	s3 =	sld [smem:$0x3FFE];
	_ =	sdelay $0x1  }
0x8a: {  	s1 =	srdreg.scid  }
0x8b: {  	s0 =	sand.u32 $0x1, s1  }
0x8c: {  	s16 =	sshll.u32 s0, $0xA;
	s2 =	sadd.s32 s3, s2  }
0x8d: {  	s2 =	sadd.s32 s2, s16  }
0x8e: {  	[smem:$0x3FBE] =	sst s2  }
0x8f: {  	_ = 	snop  }
0x90: {  	(tm) =	ssettm $0x1  }
0x91: {  	s17 =	sld [smem:$0x3FFB];
	_ =	sdelay $0x3  }
0x92: {  	_ =	strace s17  }
0x93: {  	s2 =	sld [smem:$0x3FFC];
	_ =	sdelay $0x3  }
0x94: {  	_ =	strace s2  }
0x95: {  	s2 =	sld [smem:$0x3FFD];
	_ =	sdelay $0x3  }
0x96: {  	_ =	strace s2  }
0x97: {  	_ =	strace $0x8FFFFFFF  }
0x98: {  	s18 =	sld [smem:$0x3FDB];
	_ =	sdelay $0x1  }
0x99: {  	s19 =	simm.s32 $_scs_section_size  }
0x9a: {  	s4 =	simm.s32 $_size__tile_overlayer_lowered;
	s5 =	simm.s32 $_tile_overlayer_lowered  }
0x9b: {  	s22 =	simm.s32 $0x1BFF;
	s21 =	sshll.u32 s5, $0x1;
	s2 =	sadd.s32 s19, s18  }
0x9c: {  	s6 =	simm.s32 $0x0;
	s20 =	sshll.u32 s4, $0x1;
	s4 =	sadd.s32 s21, s2  }
0x9d: {  	[timem:s6], [sflag:s22] =	dma.local [hbm:s4], s20  }
0x9e: {  	_ =	swait.ge [sflag:s22], s20  }
0x9f: {  	s3 =	ssub.s32 $0x0, s20;
	[sflag:s22] =	ssyncset.done $0x0  }
0xa0: {  	[sflag:s22] =	ssyncadd.s32 s3;
	_ =	sdelay $0x1  }
0xa1: {  	s23 =	simm.s32 $0x1B8B  }
0xa2: {  	_ =	swait.ge [sflag:s23], $0x1  }
0xa3: {  	[sflag:s23] =	ssyncset.done $0x0  }
0xa4: {  	s25 =	simm.s32 $0x1B8E;
	s24 =	sld [smem:$0x3FFE];
	[sflag:s23] =	ssyncadd.s32 $0xFFFFFFFF  }
0xa5: {  	s26 =	simm.s32 $execute0_lowered;
	[smem:$0x3FD2] =	sst s25  }
0xa6: {  	s4 =	sshll.u32 s26, $0x1;
	_ =	strace $0x80000049;
	[dreg:$0x1] =	wrdreg $0xFFFFFFFF  }
0xa7: {  	s28 =	simm.s32 $_size_execute0_lowered;
	s2 =	sadd.s32 s2, s4;
	[dreg:$0x0] =	wrdreg $0x0  }
0xa8: {  	s4 =	sshll.u32 s28, $0x1;
	[dreg:$0x2] =	wrdreg s2  }
0xa9: {  	[dreg:$0x3] =	wrdreg s4  }
0xaa: {  	[dreg:$0x4] =	wrdreg $0xC0  }
0xab: {  	_ =	task [dreg:s6], $0x5FFFF  }
0xac: {  	[dreg:$0x1] =	wrdreg $0xFFFFFFFF  }
0xad: {  	[dreg:$0x0] =	wrdreg $0x60  }
0xae: {  	[dreg:$0x2] =	wrdreg s24  }
0xaf: {  	[dreg:$0x3] =	wrdreg $0x21000  }
0xb0: {  	[dreg:$0x4] =	wrdreg $0x9  }
0xb1: {  	_ =	task.clear_ibuf [dreg:s6], $0x5FFFF;
	_ =	strace $0x90000049  }
0xb2: {  	s29 =	simm.s32 $0x9;
	_ =	strace $0x8000004B  }
0xb3: {  	_ =	swait.ge [sflag:s29], $0x1  }
0xb4: {  	[sflag:s29] =	ssyncadd.s32 $0xFFFFFFFF  }
0xb5: {  	_ =	strace $0x9000004B  }
0xb6: {  	_ =	sfence  }
0xb7: {  	s30 =	sld [smem:$0x0];
	_ =	sdelay $0x2  }
0xb8: {  	s31 =	sshll.u32 s1, $0xD;
	s1 =	sshrl.u32 s1, $0x2  }
0xb9: {  	s3 =	sand.u32 $0x4000, s31;
	s1 =	sadd.s32 s1, s30  }
0xba: {  	s0 =	sor.u32 s3, s0;
	s1 =	sshll.u32 s1, $0x11  }
0xbb: {  	s0 =	sor.u32 s1, s0  }
0xbc: {  	s0 =	sadd.s32 $0x8F2B, s0  }
0xbd: {  	[sflag:s0] =	ssyncadd.remote.s32 $0x1  }
0xbe: {  	_ =	sfence.sel $0xFFFF  }
0xbf: {  	[dreg:$0x0] =	wrdreg $0xFFFFFFFF;
	(pc) =	sbr.abs _section_cstart, $3  }
0xc0: {  	[dreg:$0x1] =	wrdreg $0xFFFFFFFF  }
0xc1: {  	_ =	task.clear_ibuf [dreg:s6], $0x2FFFF;
	_ =	strace $0x9FFFFFFF  }
0xc2: {  	(tm) =	ssettm $0x7FFFFFFF  }
0xc3: {  	_ =	shalt  }
tec
execute0_lowered:
.L_overlay_start_1:
0x0: {  	(tag) =	ssettag $0x1  }
0x1: {  	s8 =	rddreg [dreg:$0x0]  }
0x2: {  	s2 =	rddreg [dreg:$0x1]  }
0x3: {  	s0 =	rddreg [dreg:$0x2];
	s1 =	stileid.u32  }
0x4: {  	s3 =	simm.s32 $0x0;
	s4 =	srdreg.scid;
	s15 =	simm.s32 $0x80  }
0x5: {  	s16 =	simm.s32 $0x100;
	s17 =	simm.s32 $0x1100;
	s18 =	simm.s32 $0x1  }
0x6: {  	s19 =	simm.s32 $0x2;
	s20 =	simm.s32 $0x1900;
	s9 =	smul.u32 $0x2800, s1  }
0x7: {  	[smem:$0x7FF] =	sst s3;
	s10 =	sand.u32 $0x1, s4;
	s11 =	smul.u32 $0x500, s1  }
0x8: {  	s4 =	sadd.s32 $0x47400, s8;
	s5 =	sadd.s32 $0x3D200, s8;
	s6 =	sadd.s32 $0x1200, s8  }
0x9: {  	s7 =	sadd.s32 $0xB200, s8;
	s30 =	sshll.u32 s1, $0x1;
	s31 =	sshll.u32 s1, $0x6  }
0xa: {  	_ =	strace $0x8000004A;
	s12 =	smul.u32 $0x5000, s10;
	s28 =	ssub.s32 $0x2, s10  }
0xb: {  	s10 =	sor.u32 s10, s30;
	s13 =	sshrl.u32 s9, $0x3;
	s29 =	sshrl.u32 s28, $0x1  }
0xc: {  	s14 =	sadd.s32 s9, s2;
	s9 =	sor.u32 $0x1C03, s31;
	s10 =	smul.u32 $0x2880, s10  }
0xd: {  	s11 =	sadd.s32 s11, s12;
	s13 =	sadd.s32 s13, s8;
	s12 =	ssub.s32 s28, s29  }
0xe: {  	s11 =	sadd.s32 s11, s8;
	s8 =	sadd.s32 $0x10200, s13;
	s12 =	smax.u32 s12, $0x1  }
0xf: {  	s13 =	sshrl.u32 s14, $0x3;
	s14 =	simm.s32 $0x3;
	s11 =	sadd.s32 $0x15200, s11  }
.LBB2_1:
0x10: {  	[spmem:s13], [sflag:s9] =	dma.local [hbm:s8], $0x500  }
0x11: {  	_ =	swait.ge [sflag:s14], $0x500  }
0x12: {  	[sflag:s14] =	ssyncset.done $0x0  }
0x13: {  	[sflag:s14] =	ssyncadd.s32 $0xFFFFFB00  }
0x14: {  	s21 =	simm.s32 $0x0;
	[bflag:$0x0] =	sbarrier.arrive $0xFFFF  }
.LBB2_2:
0x15: {  	s22 =	sshll.u32 s21, $0x7  }
0x16: {  	s22 =	sadd.s32 s10, s22  }
0x17: {  	s22 =	sshrl.u32 s22, $0x3  }
0x18: {  	s24 =	simm.s32 $0x0;
	s23 =	sadd.s32 s4, s22  }
0x19: {  	[tilespmem:s24], [sflag:$0x3] =	stream.linear.gather [hbm4b:s23+s24], $0x80, $0x38;
	[tilespmem:$0x4900] =	vst v63  }
0x1a: {  	_ =	swait.ge [sflag:s14], $0x80  }
0x1b: {  	[sflag:s14] =	ssyncset.done $0x0  }
0x1c: {  	s22 =	sadd.s32 s5, s22;
	[sflag:s14] =	ssyncadd.s32 $0xFFFFFF80  }
0x1d: {  	[tilespmem:s15], [sflag:$0x3] =	stream.linear.gather [hbm4b:s22+s24], $0x80, $0x38;
	[tilespmem:$0x4900] =	vst v63  }
0x1e: {  	_ =	swait.ge [sflag:s14], $0x80  }
0x1f: {  	[sflag:s14] =	ssyncset.done $0x0  }
0x20: {  	[sflag:s14] =	ssyncadd.s32 $0xFFFFFF80  }
0x21: {  	[tilespmem:s16], [sflag:$0x1] =	stream.indirect.gather [hbm4b:s6+s15], $0x20, s24, s15, $0xb8;
	[tilespmem:$0x4900] =	vst v63  }
0x22: {  	_ = 	snop  }
0x23: {  	[tilespmem:s17], [sflag:$0x2] =	stream.indirect.gather [hbm4b:s7+s15], $0x10, s15, s15, $0xb8;
	[tilespmem:$0x4900] =	vst v63  }
0x24: {  	_ =	swait.ge [sflag:s18], $0x1000  }
0x25: {  	[sflag:s18] =	ssyncset.done $0x0  }
0x26: {  	[sflag:s18] =	ssyncadd.s32 $0xFFFFF000  }
0x27: {  	_ =	swait.ge [sflag:s19], $0x800  }
0x28: {  	[sflag:s19] =	ssyncset.done $0x0  }
0x29: {  	s22 =	simm.s32 $0x0;
	[sflag:s19] =	ssyncadd.s32 $0xFFFFF800  }
0x2a: {  	s23 =	simm.s32 $0x110;
	s24 =	simm.s32 $0x40;
	v0 =	vld [tilespmem:s22+$0x1100]  }
.LBB2_3:
0x2b: {  	p0 =	sne.s32 s24, $0x1FC0;
	v1 =	vld [tilespmem:s23+$0x0];
	_ =	sdelay $0x4  }
0x2c: {  	v0 =	vadd.f32 v0, v1;
	_ =	sdelay $0x1  }
0x2d: {  	v1 =	vmul.f32 $2.000000030e-01, v0  }
0x2e: {  	vm0 =	vgt.f32 v0, $0.0e+00  }
0x2f: {  	v0 =	vsel vm0, v0, v1  }
0x30: {  	v0 =	vmul.f32 $1.442695020e+00, v0;
	_ =	sdelay $0x1  }
0x31: {  	(erf) = vpow2.f32 v0;
	_ =	sdelay $0x4  }
0x32: {  	v0 =	vld [tilespmem:s23+$0xFFFFFFF0];
	_ =	sdelay $0x2  }
.Ltmp0:
0x33: {  	(pc) =	sbr.rel @p0 .LBB2_3-.Ltmp0, $4  }
0x34: {  	v1 =	vpop (erf)  }
0x35: {  	v1 =	vmul.f32 v1, v0  }
0x36: {  	s25 =	sshra.s32 s24, $0x2  }
0x37: {  	s24 =	sadd.s32 $0x40, s24;
	s23 =	sadd.s32 $0x20, s23;
	v0 =	vld [tilespmem:s25+$0x1100];
	[tilespmem:s22+$0x1900] =	vst v1;
	s22 =	smov.u32 s25  }
0x38: {  	v1 =	vld [tilespmem:s23+$0x0];
	_ =	sdelay $0x4  }
0x39: {  	v0 =	vadd.f32 v0, v1;
	_ =	sdelay $0x1  }
0x3a: {  	v1 =	vmul.f32 $2.000000030e-01, v0  }
0x3b: {  	vm0 =	vgt.f32 v0, $0.0e+00  }
0x3c: {  	v0 =	vsel vm0, v0, v1  }
0x3d: {  	v0 =	vmul.f32 $1.442695020e+00, v0;
	_ =	sdelay $0x1  }
0x3e: {  	(erf) = vpow2.f32 v0;
	_ =	sdelay $0x4  }
0x3f: {  	v62 =	vld [tilespmem:s23+$0xFFFFFFF0];
	_ =	sdelay $0x3  }
0x40: {  	v63 =	vpop (erf)  }
0x41: {  	s21 =	sadd.s32 $0x1, s21;
	v0 =	vmul.f32 v63, v62  }
0x42: {  	p0 =	sne.s32 s21, $0x51  }
.Ltmp1:
0x43: {  	[tilespmem:s22+$0x1900] =	vst v0;
	(pc) =	sbr.rel @p0 .LBB2_2-.Ltmp1, $4  }
0x44: {  	[spmem:s2] =	stream.indirect.scatter.add.f32 [tilespmem:s20], [sflag:$0x3], $0x10, s15, s15, $0xb8;
	[tilespmem:$0x4900] =	vst v63  }
0x45: {  	_ =	swait.ge [sflag:s14], $0x800  }
0x46: {  	[sflag:s14] =	ssyncset.done $0x0  }
0x47: {  	[sflag:s14] =	ssyncadd.s32 $0xFFFFF800  }
0x48: {  	s3 =	sadd.s32 $0x1, s3  }
0x49: {  	p0 =	sne.s32 s3, s12  }
.Ltmp2:
0x4a: {  	[bflag:$0x0] =	sbarrier.arrive $0xFFFF;
	(pc) =	sbr.rel @p0 .LBB2_1-.Ltmp2, $4  }
0x4b: {  	[hbm:s11], [sflag:s9] =	dma.local [spmem:s13], $0x500  }
0x4c: {  	_ =	swait.ge [sflag:s14], $0x500  }
0x4d: {  	[sflag:s14] =	ssyncset.done $0x0  }
0x4e: {  	[sflag:s14] =	ssyncadd.s32 $0xFFFFFB00  }
0x4f: {  	_ =	sfence.sel $0x180000  }
0x50: {  	[bflag:$0x0] =	sbarrier.arrive $0xFFFF  }
0x51: {  	p0 =	sne.s32 s1, $0x0;
	_ =	strace $0x9000004A  }
0x52: {  	s0 =	sadd.s32 @!p0 $0x100000, s0;
	[bflag:$0x2] =	sbarrier.arrive $0xFFFF  }
0x53: {  	[sflag:s0] =	ssyncadd.tile.s32 @!p0 $0x1;
	_ =	shalt  }
.Lfunc_end2:
_tile_overlayer_lowered:
.L_overlay_start_2:
0x54: {  	(tag) =	ssettag $0x2  }
0x55: {  	s0 =	rddreg [dreg:$0x0];
	s2 =	stileid.u32  }
0x56: {  	s1 =	rddreg [dreg:$0x1];
	p0 =	sne.s32 s2, $0x0  }
0x57: {  	s3 =	rddreg [dreg:$0x2];
	[bflag:$0x3] =	sbarrier.arrive $0xFFFF;
	s2 =	simm.s32 @!p0 $0x1C03  }
0x58: {  	[timem:s3], [sflag:s2] =	dma.local @!p0 [hbm:s0], s1  }
0x59: {  	s0 =	simm.s32 @!p0 $0x3  }
0x5a: {  	_ =	swait.ge @!p0 [sflag:s0], s1  }
0x5b: {  	s1 =	ssub.s32 @!p0 $0x0, s1;
	[sflag:s0] =	ssyncset.done @!p0 $0x0  }
0x5c: {  	[sflag:s0] =	ssyncadd.s32 @!p0 s1  }
0x5d: {  	[bflag:$0x3] =	sbarrier.arrive $0xFFFF  }
0x5e: {  	_ =	shalt  }

// kernel: kernel.7.cloned.1.call-start
scs
__scs_entry_jumppad:
0x0: {  	(pc) =	sbr.rel $0x88, $3  }
0x1: {  	(tag) =	ssettag $0x0;
	lr =	simm.s32 $0x1  }
0x2: {  	[smem:$0x3F97] =	sst lr;
	_ =	strace $0xD0000000  }
0x3: {  	_ = 	snop  }
0x4: {  	_ = 	snop  }
0x5: {  	_ = 	snop  }
0x6: {  	_ = 	snop  }
0x7: {  	_ = 	snop  }
__scs_overlays_trampoline_lowered:
0x8: {  	[smem:$0x3FA6] =	sst s0  }
0x9: {  	[smem:$0x3FA7] =	sst s1  }
0xa: {  	[smem:$0x3FA8] =	sst s2  }
0xb: {  	[smem:$0x3FA9] =	sst s3  }
0xc: {  	[smem:$0x3FAA] =	sst s4  }
0xd: {  	[smem:$0x3FAB] =	sst s5  }
0xe: {  	[smem:$0x3FAC] =	sst s6  }
0xf: {  	[smem:$0x3FAD] =	sst s7  }
0x10: {  	[smem:$0x3FAE] =	sst s8  }
0x11: {  	[smem:$0x3FAF] =	sst s9;
	s0 =	simm.s32 @!p0 $0x0  }
0x12: {  	s1 =	sld [smem:$0x3F95];
	s0 =	simm.s32 @p0 $0x1  }
0x13: {  	[smem:$0x3FB0] =	sst s0;
	s0 =	simm.s32 @!p1 $0x0  }
0x14: {  	s2 =	sld [smem:$0x3F94];
	s0 =	simm.s32 @p1 $0x1  }
0x15: {  	[smem:$0x3FB1] =	sst s0;
	s0 =	simm.s32 @!p2 $0x0  }
0x16: {  	s3 =	sld [smem:$0x3FDB];
	s0 =	simm.s32 @p2 $0x1  }
0x17: {  	s4 =	simm.s32 $0x1BF5;
	[smem:$0x3FB3] =	sst s0  }
0x18: {  	s0 =	sld [smem:$0x3F96];
	_ =	swait.ge [sflag:s4], $0x0  }
0x19: {  	s7 =	sld [smem:$0x3F97]  }
0x1a: {  	s8 =	sadd.s32 $0xFFFFE003, lr  }
0x1b: {  	s9 =	sadd.s32 $0xFFFFFEF7, lr;
	s5 =	simm.s32 $0xFFFFFFFF;
	p2 =	slt.u32 s8, $0xFFFFF086  }
0x1c: {  	p1 =	slt.u32 s9, $0xF7A;
	s5 =	simm.s32 @!p2 $0x0  }
0x1d: {  	s5 =	simm.s32 @p1 $0x1;
	p0 =	seq.s32 s7, s2  }
0x1e: {  	s7 =	smul.u32 @!p0 $0xF7A, s2;
	p2 =	seq.s32 @!p0 s5, $0x0  }
0x1f: {  	s9 =	smul.u32 $0xF7A, s1;
	s8 =	simm.s32 @!p0 $0x1BF5;
	p2 =	por !p2, p0  }
0x20: {  	[sflag:s8] =	ssyncset.s32 @!p0 $0xFFFFF086;
	s6 =	sadd.s32 @!p0 s3, s7;
	s7 =	simm.s32 @!p0 $0x108  }
0x21: {  	s3 =	sadd.s32 s3, s9;
	s6 =	sadd.s32 @!p0 $0x88, s6;
	s7 =	simm.s32 @p2 $0x1082  }
0x22: {  	[simem:s7], [sflag:s8] =	dma.local @!p0 [hbm:s6], $0xF7A  }
0x23: {  	s9 =	sor.u32 $0xD0000000, s2;
	s6 =	simm.s32 $0x108;
	_ =	swait.ge @!p0 [sflag:s8], $0x0  }
0x24: {  	s3 =	sadd.s32 $0x88, s3;
	s6 =	simm.s32 @!p1 $0x1082;
	[sflag:s4] =	ssyncset.s32 $0xFFFFF086  }
0x25: {  	[simem:s6], [sflag:s4] =	dma.local [hbm:s3], $0xF7A  }
0x26: {  	[smem:$0x3F97] =	sst s1;
	(tag) =	ssettag s2;
	_ =	strace s9  }
0x27: {  	s1 =	sld [smem:$0x3FA7]  }
0x28: {  	s2 =	sld [smem:$0x3FA8]  }
0x29: {  	s4 =	sld [smem:$0x3FAA]  }
0x2a: {  	p0 =	seq.s32 s5, $0x0;
	s5 =	sld [smem:$0x3FAB]  }
0x2b: {  	s6 =	sld [smem:$0x3FAC]  }
0x2c: {  	s7 =	sld [smem:$0x3FAD]  }
0x2d: {  	s3 =	simm.s32 $0x108;
	s8 =	sld [smem:$0x3FAE]  }
0x2e: {  	s3 =	simm.s32 @!p0 $0x1082;
	s9 =	sld [smem:$0x3FAF]  }
0x2f: {  	lr =	sadd.s32 s0, s3;
	s0 =	sld [smem:$0x3FA6]  }
0x30: {  	s3 =	sld [smem:$0x3FA9]  }
0x31: {  	[smem:$0x3FB2] =	sst s10  }
0x32: {  	s10 =	sld [smem:$0x3FB0];
	_ =	sdelay $0x3  }
0x33: {  	p0 =	seq.s32 s10, $0x1;
	s10 =	sld [smem:$0x3FB2];
	_ =	sdelay $0x3  }
0x34: {  	[smem:$0x3FB2] =	sst s10  }
0x35: {  	s10 =	sld [smem:$0x3FB1];
	_ =	sdelay $0x3  }
0x36: {  	p1 =	seq.s32 s10, $0x1;
	s10 =	sld [smem:$0x3FB2];
	_ =	sdelay $0x3  }
0x37: {  	[smem:$0x3FB2] =	sst s10  }
0x38: {  	s10 =	sld [smem:$0x3FB3]  }
0x39: {  	_ = 	snop;
	(pc) =	sbr.ind lr, $3  }
0x3a: {  	_ = 	snop  }
0x3b: {  	_ = 	snop  }
0x3c: {  	p2 =	seq.s32 s10, $0x1;
	s10 =	sld [smem:$0x3FB2]  }
0x3d: {  	_ =	shalt  }
0x3e: {  	_ =	shalt  }
0x3f: {  	_ =	shalt  }
0x40: {  	_ =	shalt  }
0x41: {  	_ =	shalt  }
0x42: {  	_ =	shalt  }
0x43: {  	_ =	shalt  }
0x44: {  	_ =	shalt  }
0x45: {  	_ =	shalt  }
0x46: {  	_ =	shalt  }
0x47: {  	_ =	shalt  }
0x48: {  	_ =	shalt  }
0x49: {  	_ =	shalt  }
0x4a: {  	_ =	shalt  }
0x4b: {  	_ =	shalt  }
0x4c: {  	_ =	shalt  }
0x4d: {  	_ =	shalt  }
0x4e: {  	_ =	shalt  }
0x4f: {  	_ =	shalt  }
0x50: {  	_ =	shalt  }
0x51: {  	_ =	shalt  }
0x52: {  	_ =	shalt  }
0x53: {  	_ =	shalt  }
0x54: {  	_ =	shalt  }
0x55: {  	_ =	shalt  }
0x56: {  	_ =	shalt  }
0x57: {  	_ =	shalt  }
0x58: {  	_ =	shalt  }
0x59: {  	_ =	shalt  }
0x5a: {  	_ =	shalt  }
0x5b: {  	_ =	shalt  }
0x5c: {  	_ =	shalt  }
0x5d: {  	_ =	shalt  }
0x5e: {  	_ =	shalt  }
0x5f: {  	_ =	shalt  }
0x60: {  	_ =	shalt  }
0x61: {  	_ =	shalt  }
0x62: {  	_ =	shalt  }
0x63: {  	_ =	shalt  }
0x64: {  	_ =	shalt  }
0x65: {  	_ =	shalt  }
0x66: {  	_ =	shalt  }
0x67: {  	_ =	shalt  }
0x68: {  	_ =	shalt  }
0x69: {  	_ =	shalt  }
0x6a: {  	_ =	shalt  }
0x6b: {  	_ =	shalt  }
0x6c: {  	_ =	shalt  }
0x6d: {  	_ =	shalt  }
0x6e: {  	_ =	shalt  }
0x6f: {  	_ =	shalt  }
0x70: {  	_ =	shalt  }
0x71: {  	_ =	shalt  }
0x72: {  	_ =	shalt  }
0x73: {  	_ =	shalt  }
0x74: {  	_ =	shalt  }
0x75: {  	_ =	shalt  }
0x76: {  	_ =	shalt  }
0x77: {  	_ =	shalt  }
0x78: {  	_ =	shalt  }
0x79: {  	_ =	shalt  }
0x7a: {  	_ =	shalt  }
0x7b: {  	_ =	shalt  }
0x7c: {  	_ =	shalt  }
0x7d: {  	_ =	shalt  }
0x7e: {  	_ =	shalt  }
0x7f: {  	_ =	shalt  }
0x80: {  	_ =	shalt  }
0x81: {  	_ =	shalt  }
0x82: {  	_ =	shalt  }
0x83: {  	_ =	shalt  }
0x84: {  	_ =	shalt  }
0x85: {  	_ =	shalt  }
0x86: {  	_ =	shalt  }
0x87: {  	_ =	shalt  }
.Lfunc_end0:
.L_simem_size_0:
called_computation_lowered:
.L_overlay_start_0:
0x88: {  	s2 =	sld [smem:$0x3FD9]  }
0x89: {  	s3 =	sld [smem:$0x3FFE];
	_ =	sdelay $0x1  }
0x8a: {  	s1 =	srdreg.scid  }
0x8b: {  	s0 =	sand.u32 $0x1, s1  }
0x8c: {  	s16 =	sshll.u32 s0, $0xA;
	s2 =	sadd.s32 s3, s2  }
0x8d: {  	s2 =	sadd.s32 s2, s16  }
0x8e: {  	[smem:$0x3FBE] =	sst s2  }
0x8f: {  	_ = 	snop  }
0x90: {  	(tm) =	ssettm $0x1  }
0x91: {  	s17 =	sld [smem:$0x3FFB];
	_ =	sdelay $0x3  }
0x92: {  	_ =	strace s17  }
0x93: {  	s2 =	sld [smem:$0x3FFC];
	_ =	sdelay $0x3  }
0x94: {  	_ =	strace s2  }
0x95: {  	s2 =	sld [smem:$0x3FFD];
	_ =	sdelay $0x3  }
0x96: {  	_ =	strace s2  }
0x97: {  	_ =	strace $0x8FFFFFFF  }
0x98: {  	s18 =	sld [smem:$0x3FDB];
	_ =	sdelay $0x1  }
0x99: {  	s19 =	simm.s32 $_scs_section_size  }
0x9a: {  	s4 =	simm.s32 $_size__tile_overlayer_lowered;
	s5 =	simm.s32 $_tile_overlayer_lowered  }
0x9b: {  	s22 =	simm.s32 $0x1BFF;
	s21 =	sshll.u32 s5, $0x1;
	s2 =	sadd.s32 s19, s18  }
0x9c: {  	s6 =	simm.s32 $0x0;
	s20 =	sshll.u32 s4, $0x1;
	s4 =	sadd.s32 s21, s2  }
0x9d: {  	[timem:s6], [sflag:s22] =	dma.local [hbm:s4], s20  }
0x9e: {  	_ =	swait.ge [sflag:s22], s20  }
0x9f: {  	s3 =	ssub.s32 $0x0, s20;
	[sflag:s22] =	ssyncset.done $0x0  }
0xa0: {  	[sflag:s22] =	ssyncadd.s32 s3;
	_ =	sdelay $0x1  }
0xa1: {  	s23 =	simm.s32 $0x1B8B  }
0xa2: {  	_ =	swait.ge [sflag:s23], $0x1  }
0xa3: {  	[sflag:s23] =	ssyncset.done $0x0  }
0xa4: {  	s25 =	simm.s32 $0x1B8E;
	s24 =	sld [smem:$0x3FFE];
	[sflag:s23] =	ssyncadd.s32 $0xFFFFFFFF  }
0xa5: {  	s26 =	simm.s32 $execute0_lowered;
	[smem:$0x3FD2] =	sst s25  }
0xa6: {  	s4 =	sshll.u32 s26, $0x1;
	_ =	strace $0x80000046;
	[dreg:$0x1] =	wrdreg $0xFFFFFFFF  }
0xa7: {  	s28 =	simm.s32 $_size_execute0_lowered;
	s2 =	sadd.s32 s2, s4;
	[dreg:$0x0] =	wrdreg $0x0  }
0xa8: {  	s4 =	sshll.u32 s28, $0x1;
	[dreg:$0x2] =	wrdreg s2  }
0xa9: {  	[dreg:$0x3] =	wrdreg s4  }
0xaa: {  	[dreg:$0x4] =	wrdreg $0xC0  }
0xab: {  	_ =	task [dreg:s6], $0x5FFFF  }
0xac: {  	[dreg:$0x1] =	wrdreg $0xFFFFFFFF  }
0xad: {  	[dreg:$0x0] =	wrdreg $0x60  }
0xae: {  	[dreg:$0x2] =	wrdreg s24  }
0xaf: {  	[dreg:$0x3] =	wrdreg $0xA1000  }
0xb0: {  	[dreg:$0x4] =	wrdreg $0x9  }
0xb1: {  	_ =	task.clear_ibuf [dreg:s6], $0x5FFFF;
	_ =	strace $0x90000046  }
0xb2: {  	s29 =	simm.s32 $0x9;
	_ =	strace $0x80000048  }
0xb3: {  	_ =	swait.ge [sflag:s29], $0x1  }
0xb4: {  	[sflag:s29] =	ssyncadd.s32 $0xFFFFFFFF  }
0xb5: {  	_ =	strace $0x90000048  }
0xb6: {  	_ =	sfence  }
0xb7: {  	s30 =	sld [smem:$0x0];
	_ =	sdelay $0x2  }
0xb8: {  	s31 =	sshll.u32 s1, $0xD;
	s1 =	sshrl.u32 s1, $0x2  }
0xb9: {  	s3 =	sand.u32 $0x4000, s31;
	s1 =	sadd.s32 s1, s30  }
0xba: {  	s0 =	sor.u32 s3, s0;
	s1 =	sshll.u32 s1, $0x11  }
0xbb: {  	s0 =	sor.u32 s1, s0  }
0xbc: {  	s0 =	sadd.s32 $0x8F2B, s0  }
0xbd: {  	[sflag:s0] =	ssyncadd.remote.s32 $0x1  }
0xbe: {  	_ =	sfence.sel $0xFFFF  }
0xbf: {  	[dreg:$0x0] =	wrdreg $0xFFFFFFFF;
	(pc) =	sbr.abs _section_cstart, $3  }
0xc0: {  	[dreg:$0x1] =	wrdreg $0xFFFFFFFF  }
0xc1: {  	_ =	task.clear_ibuf [dreg:s6], $0x2FFFF;
	_ =	strace $0x9FFFFFFF  }
0xc2: {  	(tm) =	ssettm $0x7FFFFFFF  }
0xc3: {  	_ =	shalt  }
tec
execute0_lowered:
.L_overlay_start_1:
0x0: {  	(tag) =	ssettag $0x1  }
0x1: {  	s8 =	rddreg [dreg:$0x0]  }
0x2: {  	s2 =	rddreg [dreg:$0x1]  }
0x3: {  	s0 =	rddreg [dreg:$0x2];
	s1 =	stileid.u32  }
0x4: {  	s3 =	simm.s32 $0x0;
	s4 =	srdreg.scid;
	s15 =	simm.s32 $0x80  }
0x5: {  	s16 =	simm.s32 $0x100;
	s17 =	simm.s32 $0x4100;
	s18 =	simm.s32 $0x1  }
0x6: {  	s19 =	simm.s32 $0x2;
	s20 =	simm.s32 $0x6100;
	s9 =	smul.u32 $0x14000, s1  }
0x7: {  	[smem:$0x7FF] =	sst s3;
	s10 =	sand.u32 $0x1, s4;
	s11 =	smul.u32 $0x2800, s1  }
0x8: {  	s4 =	sadd.s32 $0x47400, s8;
	s5 =	sadd.s32 $0x3D200, s8;
	s6 =	sadd.s32 $0x1200, s8  }
0x9: {  	s7 =	sadd.s32 $0x29200, s8;
	s30 =	sshll.u32 s1, $0x1;
	s31 =	sshll.u32 s1, $0x6  }
0xa: {  	_ =	strace $0x80000047;
	s12 =	smul.u32 $0x28000, s10;
	s28 =	ssub.s32 $0x2, s10  }
0xb: {  	s10 =	sor.u32 s10, s30;
	s13 =	sshrl.u32 s9, $0x3;
	s29 =	sshrl.u32 s28, $0x1  }
0xc: {  	s14 =	sadd.s32 s9, s2;
	s9 =	sor.u32 $0x1C03, s31;
	s10 =	smul.u32 $0x2880, s10  }
0xd: {  	s11 =	sadd.s32 s11, s12;
	s13 =	sadd.s32 s13, s8;
	s12 =	ssub.s32 s28, s29  }
0xe: {  	s11 =	sadd.s32 s11, s8;
	s8 =	sadd.s32 $0x51600, s13;
	s12 =	smax.u32 s12, $0x1  }
0xf: {  	s13 =	sshrl.u32 s14, $0x3;
	s14 =	simm.s32 $0x3;
	s11 =	sadd.s32 $0x79600, s11  }
.LBB2_1:
0x10: {  	[spmem:s13], [sflag:s9] =	dma.local [hbm:s8], $0x2800  }
0x11: {  	_ =	swait.ge [sflag:s14], $0x2800  }
0x12: {  	[sflag:s14] =	ssyncset.done $0x0  }
0x13: {  	[sflag:s14] =	ssyncadd.s32 $0xFFFFD800  }
0x14: {  	s21 =	simm.s32 $0x0;
	[bflag:$0x0] =	sbarrier.arrive $0xFFFF  }
.LBB2_2:
0x15: {  	s22 =	sshll.u32 s21, $0x7  }
0x16: {  	s22 =	sadd.s32 s10, s22  }
0x17: {  	s22 =	sshrl.u32 s22, $0x3  }
0x18: {  	s24 =	simm.s32 $0x0;
	s23 =	sadd.s32 s4, s22  }
0x19: {  	[tilespmem:s24], [sflag:$0x3] =	stream.linear.gather [hbm4b:s23+s24], $0x80, $0x38;
	[tilespmem:$0x1E100] =	vst v63  }
0x1a: {  	_ =	swait.ge [sflag:s14], $0x80  }
0x1b: {  	[sflag:s14] =	ssyncset.done $0x0  }
0x1c: {  	s22 =	sadd.s32 s5, s22;
	[sflag:s14] =	ssyncadd.s32 $0xFFFFFF80  }
0x1d: {  	[tilespmem:s15], [sflag:$0x3] =	stream.linear.gather [hbm4b:s22+s24], $0x80, $0x38;
	[tilespmem:$0x1E100] =	vst v63  }
0x1e: {  	_ =	swait.ge [sflag:s14], $0x80  }
0x1f: {  	[sflag:s14] =	ssyncset.done $0x0  }
0x20: {  	[sflag:s14] =	ssyncadd.s32 $0xFFFFFF80  }
0x21: {  	[tilespmem:s16], [sflag:$0x1] =	stream.indirect.gather [hbm4b:s6+s15], $0x80, s24, s15, $0xb8;
	[tilespmem:$0x1E100] =	vst v63  }
0x22: {  	_ = 	snop  }
0x23: {  	[tilespmem:s17], [sflag:$0x2] =	stream.indirect.gather [hbm4b:s7+s15], $0x40, s15, s15, $0xb8;
	[tilespmem:$0x1E100] =	vst v63  }
0x24: {  	_ =	swait.ge [sflag:s18], $0x4000  }
0x25: {  	[sflag:s18] =	ssyncset.done $0x0  }
0x26: {  	[sflag:s18] =	ssyncadd.s32 $0xFFFFC000  }
0x27: {  	_ =	swait.ge [sflag:s19], $0x2000  }
0x28: {  	[sflag:s19] =	ssyncset.done $0x0  }
0x29: {  	s22 =	simm.s32 $0x0;
	[sflag:s19] =	ssyncadd.s32 $0xFFFFE000  }
0x2a: {  	s23 =	simm.s32 $0x4120;
	s24 =	simm.s32 $0x200;
	v0 =	vld [tilespmem:s22+$0x140]  }
.LBB2_3:
0x2b: {  	p0 =	sne.s32 s24, $0xFE00;
	v1 =	vld [tilespmem:s23+$0xFFFFFFE0];
	_ =	sdelay $0x4  }
0x2c: {  	v0 =	vadd.f32 v1, v0;
	_ =	sdelay $0x1  }
0x2d: {  	v1 =	vmul.f32 $2.000000030e-01, v0  }
0x2e: {  	vm0 =	vgt.f32 v0, $0.0e+00  }
0x2f: {  	v0 =	vsel vm0, v0, v1  }
0x30: {  	v0 =	vmul.f32 $1.442695020e+00, v0;
	_ =	sdelay $0x1  }
0x31: {  	(erf) = vpow2.f32 v0;
	_ =	sdelay $0x4  }
0x32: {  	v0 =	vld [tilespmem:s22+$0x100];
	_ =	sdelay $0x3  }
0x33: {  	v1 =	vpop (erf)  }
0x34: {  	[tilespmem:s22+$0x6140] =	vst v1;
	v0 =	vmul.f32 v1, v0;
	_ =	sdelay $0x1  }
0x35: {  	[tilespmem:s22+$0x6100] =	vst v0;
	v0 =	vld [tilespmem:s22+$0x150]  }
0x36: {  	v1 =	vld [tilespmem:s23+$0xFFFFFFF0];
	_ =	sdelay $0x4  }
0x37: {  	v0 =	vadd.f32 v1, v0;
	_ =	sdelay $0x1  }
0x38: {  	v1 =	vmul.f32 $2.000000030e-01, v0  }
0x39: {  	vm0 =	vgt.f32 v0, $0.0e+00  }
0x3a: {  	v0 =	vsel vm0, v0, v1  }
0x3b: {  	v0 =	vmul.f32 $1.442695020e+00, v0;
	_ =	sdelay $0x1  }
0x3c: {  	(erf) = vpow2.f32 v0;
	_ =	sdelay $0x4  }
0x3d: {  	v0 =	vld [tilespmem:s22+$0x110];
	_ =	sdelay $0x3  }
0x3e: {  	v1 =	vpop (erf)  }
0x3f: {  	[tilespmem:s22+$0x6150] =	vst v1;
	v0 =	vmul.f32 v1, v0;
	_ =	sdelay $0x1  }
0x40: {  	[tilespmem:s22+$0x6110] =	vst v0;
	v0 =	vld [tilespmem:s22+$0x160]  }
0x41: {  	v1 =	vld [tilespmem:s23+$0x0];
	_ =	sdelay $0x4  }
0x42: {  	v0 =	vadd.f32 v1, v0;
	_ =	sdelay $0x1  }
0x43: {  	v1 =	vmul.f32 $2.000000030e-01, v0  }
0x44: {  	vm0 =	vgt.f32 v0, $0.0e+00  }
0x45: {  	v0 =	vsel vm0, v0, v1  }
0x46: {  	v0 =	vmul.f32 $1.442695020e+00, v0;
	_ =	sdelay $0x1  }
0x47: {  	(erf) = vpow2.f32 v0;
	_ =	sdelay $0x4  }
0x48: {  	v0 =	vld [tilespmem:s22+$0x120];
	_ =	sdelay $0x3  }
0x49: {  	v1 =	vpop (erf)  }
0x4a: {  	[tilespmem:s22+$0x6160] =	vst v1;
	v0 =	vmul.f32 v1, v0;
	_ =	sdelay $0x1  }
0x4b: {  	[tilespmem:s22+$0x6120] =	vst v0;
	v0 =	vld [tilespmem:s22+$0x170]  }
0x4c: {  	v1 =	vld [tilespmem:s23+$0x10];
	_ =	sdelay $0x4  }
0x4d: {  	v0 =	vadd.f32 v1, v0;
	_ =	sdelay $0x1  }
0x4e: {  	v1 =	vmul.f32 $2.000000030e-01, v0  }
0x4f: {  	vm0 =	vgt.f32 v0, $0.0e+00  }
0x50: {  	v0 =	vsel vm0, v0, v1  }
0x51: {  	v0 =	vmul.f32 $1.442695020e+00, v0;
	_ =	sdelay $0x1  }
0x52: {  	(erf) = vpow2.f32 v0;
	_ =	sdelay $0x4  }
0x53: {  	v0 =	vld [tilespmem:s22+$0x130];
	_ =	sdelay $0x2  }
.Ltmp0:
0x54: {  	(pc) =	sbr.rel @p0 .LBB2_3-.Ltmp0, $4  }
0x55: {  	v1 =	vpop (erf)  }
0x56: {  	[tilespmem:s22+$0x6170] =	vst v1;
	v1 =	vmul.f32 v1, v0  }
0x57: {  	s25 =	sshra.s32 s24, $0x2  }
0x58: {  	s24 =	sadd.s32 $0x200, s24;
	s23 =	sadd.s32 $0x40, s23;
	v0 =	vld [tilespmem:s25+$0x140];
	[tilespmem:s22+$0x6130] =	vst v1;
	s22 =	smov.u32 s25  }
0x59: {  	v1 =	vld [tilespmem:s23+$0xFFFFFFE0];
	_ =	sdelay $0x4  }
0x5a: {  	v0 =	vadd.f32 v1, v0;
	_ =	sdelay $0x1  }
0x5b: {  	v1 =	vmul.f32 $2.000000030e-01, v0  }
0x5c: {  	vm0 =	vgt.f32 v0, $0.0e+00  }
0x5d: {  	v0 =	vsel vm0, v0, v1  }
0x5e: {  	v0 =	vmul.f32 $1.442695020e+00, v0;
	_ =	sdelay $0x1  }
0x5f: {  	(erf) = vpow2.f32 v0;
	_ =	sdelay $0x4  }
0x60: {  	v53 =	vld [tilespmem:s22+$0x100];
	_ =	sdelay $0x3  }
0x61: {  	v54 =	vpop (erf)  }
0x62: {  	v0 =	vmul.f32 v54, v53  }
0x63: {  	[tilespmem:s22+$0x6140] =	vst v54  }
0x64: {  	v55 =	vld [tilespmem:s22+$0x150];
	[tilespmem:s22+$0x6100] =	vst v0  }
0x65: {  	v1 =	vld [tilespmem:s23+$0xFFFFFFF0];
	_ =	sdelay $0x4  }
0x66: {  	v0 =	vadd.f32 v1, v55;
	_ =	sdelay $0x1  }
0x67: {  	v1 =	vmul.f32 $2.000000030e-01, v0  }
0x68: {  	vm13 =	vgt.f32 v0, $0.0e+00  }
0x69: {  	v0 =	vsel vm13, v0, v1  }
0x6a: {  	v0 =	vmul.f32 $1.442695020e+00, v0;
	_ =	sdelay $0x1  }
0x6b: {  	(erf) = vpow2.f32 v0;
	_ =	sdelay $0x4  }
0x6c: {  	v56 =	vld [tilespmem:s22+$0x110];
	_ =	sdelay $0x3  }
0x6d: {  	v57 =	vpop (erf)  }
0x6e: {  	v0 =	vmul.f32 v57, v56  }
0x6f: {  	[tilespmem:s22+$0x6150] =	vst v57  }
0x70: {  	v58 =	vld [tilespmem:s22+$0x160];
	[tilespmem:s22+$0x6110] =	vst v0  }
0x71: {  	v1 =	vld [tilespmem:s23+$0x0];
	_ =	sdelay $0x4  }
0x72: {  	v0 =	vadd.f32 v1, v58;
	_ =	sdelay $0x1  }
0x73: {  	v1 =	vmul.f32 $2.000000030e-01, v0  }
0x74: {  	vm14 =	vgt.f32 v0, $0.0e+00  }
0x75: {  	v0 =	vsel vm14, v0, v1  }
0x76: {  	v0 =	vmul.f32 $1.442695020e+00, v0;
	_ =	sdelay $0x1  }
0x77: {  	(erf) = vpow2.f32 v0;
	_ =	sdelay $0x4  }
0x78: {  	v59 =	vld [tilespmem:s22+$0x120];
	_ =	sdelay $0x3  }
0x79: {  	v60 =	vpop (erf)  }
0x7a: {  	v0 =	vmul.f32 v60, v59  }
0x7b: {  	[tilespmem:s22+$0x6160] =	vst v60  }
0x7c: {  	v61 =	vld [tilespmem:s22+$0x170];
	[tilespmem:s22+$0x6120] =	vst v0  }
0x7d: {  	v1 =	vld [tilespmem:s23+$0x10];
	_ =	sdelay $0x4  }
0x7e: {  	v0 =	vadd.f32 v1, v61;
	_ =	sdelay $0x1  }
0x7f: {  	v1 =	vmul.f32 $2.000000030e-01, v0  }
0x80: {  	vm15 =	vgt.f32 v0, $0.0e+00  }
0x81: {  	v0 =	vsel vm15, v0, v1  }
0x82: {  	v0 =	vmul.f32 $1.442695020e+00, v0;
	_ =	sdelay $0x1  }
0x83: {  	(erf) = vpow2.f32 v0;
	_ =	sdelay $0x4  }
0x84: {  	v62 =	vld [tilespmem:s22+$0x130];
	_ =	sdelay $0x3  }
0x85: {  	v63 =	vpop (erf)  }
0x86: {  	s21 =	sadd.s32 $0x1, s21;
	v0 =	vmul.f32 v63, v62  }
0x87: {  	p0 =	sne.s32 s21, $0x51;
	[tilespmem:s22+$0x6170] =	vst v63  }
.Ltmp1:
0x88: {  	[tilespmem:s22+$0x6130] =	vst v0;
	(pc) =	sbr.rel @p0 .LBB2_2-.Ltmp1, $4  }
0x89: {  	[spmem:s2] =	stream.indirect.scatter.add.f32 [tilespmem:s20], [sflag:$0x3], $0x80, s15, s15, $0xb8;
	[tilespmem:$0x1E100] =	vst v63  }
0x8a: {  	_ =	swait.ge [sflag:s14], $0x4000  }
0x8b: {  	[sflag:s14] =	ssyncset.done $0x0  }
0x8c: {  	[sflag:s14] =	ssyncadd.s32 $0xFFFFC000  }
0x8d: {  	s3 =	sadd.s32 $0x1, s3  }
0x8e: {  	p0 =	sne.s32 s3, s12  }
.Ltmp2:
0x8f: {  	[bflag:$0x0] =	sbarrier.arrive $0xFFFF;
	(pc) =	sbr.rel @p0 .LBB2_1-.Ltmp2, $4  }
0x90: {  	[hbm:s11], [sflag:s9] =	dma.local [spmem:s13], $0x2800  }
0x91: {  	_ =	swait.ge [sflag:s14], $0x2800  }
0x92: {  	[sflag:s14] =	ssyncset.done $0x0  }
0x93: {  	[sflag:s14] =	ssyncadd.s32 $0xFFFFD800  }
0x94: {  	_ =	sfence.sel $0x180000  }
0x95: {  	[bflag:$0x0] =	sbarrier.arrive $0xFFFF  }
0x96: {  	p0 =	sne.s32 s1, $0x0;
	_ =	strace $0x90000047  }
0x97: {  	s0 =	sadd.s32 @!p0 $0x100000, s0;
	[bflag:$0x2] =	sbarrier.arrive $0xFFFF  }
0x98: {  	[sflag:s0] =	ssyncadd.tile.s32 @!p0 $0x1;
	_ =	shalt  }
.Lfunc_end2:
_tile_overlayer_lowered:
.L_overlay_start_2:
0x99: {  	(tag) =	ssettag $0x2  }
0x9a: {  	s0 =	rddreg [dreg:$0x0];
	s2 =	stileid.u32  }
0x9b: {  	s1 =	rddreg [dreg:$0x1];
	p0 =	sne.s32 s2, $0x0  }
0x9c: {  	s3 =	rddreg [dreg:$0x2];
	[bflag:$0x3] =	sbarrier.arrive $0xFFFF;
	s2 =	simm.s32 @!p0 $0x1C03  }
0x9d: {  	[timem:s3], [sflag:s2] =	dma.local @!p0 [hbm:s0], s1  }
0x9e: {  	s0 =	simm.s32 @!p0 $0x3  }
0x9f: {  	_ =	swait.ge @!p0 [sflag:s0], s1  }
0xa0: {  	s1 =	ssub.s32 @!p0 $0x0, s1;
	[sflag:s0] =	ssyncset.done @!p0 $0x0  }
0xa1: {  	[sflag:s0] =	ssyncadd.s32 @!p0 s1  }
0xa2: {  	[bflag:$0x3] =	sbarrier.arrive $0xFFFF  }
0xa3: {  	_ =	shalt  }

</sc_bundles>
